<compile_context>
chip_gen: v7x
topology: tpu7x:2x2x1
jax: 0.10.2.dev20260603
libtpu: 0.0.44.dev20260713+nightly
codegen_flags: <defaults>
</compile_context>

<pallas_src>
import functools

import jax
import jax.numpy as jnp
from jax import lax
from jax.experimental import pallas as pl
from jax.experimental.pallas import tpu as pltpu
from jax.experimental.pallas import tpu_sc as plsc

HIDDEN = 128
TARGET_RATIO = 0.5
MIN_SEQ_LEN = 2048
LANES = 16
GCH = 32

_I32_MIN = -2147483648


def _params_body(k_keep, batch, s_ref, p_ref):
    s = s_ref[...]
    si = lax.bitcast_convert_type(s, jnp.int32)
    u = lax.bitcast_convert_type(si ^ ((si >> 31) | _I32_MIN), jnp.uint32)

    def step(i, cand):
        test = cand | (jnp.uint32(1) << (jnp.uint32(31) - i.astype(jnp.uint32)))
        cnt = jnp.sum((u >= test).astype(jnp.int32), axis=1, keepdims=True)
        return jnp.where(cnt >= k_keep, test, cand)

    thr = lax.fori_loop(0, 32, step, jnp.zeros((batch, 1), jnp.uint32))
    cnt_gt = jnp.sum((u > thr).astype(jnp.int32), axis=1, keepdims=True)
    need = (k_keep - cnt_gt).astype(jnp.uint32)
    lane = lax.broadcasted_iota(jnp.uint32, (batch, 128), 1)
    p_ref[...] = (jnp.where(lane == 0, thr, jnp.uint32(0))
                  | jnp.where(lane == 1, need, jnp.uint32(0)))


def _sc_body(seq, k_keep, rows_per_core, x_hbm, s_hbm, p_hbm, tok_hbm,
             idx_hbm, s_v, p_v, idxbuf_v, idxbuf2_v, gidx_v, gidx2_v, rows_a,
             rows_b, gsem_a, gsem_b, osem_a, osem_b):
    c = lax.axis_index("c")
    s = lax.axis_index("s")
    n_sub = 16
    tiles_per_row = n_sub // rows_per_core
    rows_per_tile = k_keep // tiles_per_row
    n_chunk = seq // LANES

    @pl.when(s < rows_per_core)
    def _select():
        b = c * rows_per_core + s
        pltpu.sync_copy(s_hbm.at[b], s_v)
        pltpu.sync_copy(p_hbm.at[b], p_v)
        pv = p_v[pl.ds(0, LANES)]
        thr = pv[0]
        need = pv[1].astype(jnp.int32)
        zero = jnp.zeros((LANES,), jnp.int32)
        one = jnp.ones((LANES,), jnp.int32)

        def chunk(i, off):
            sv = s_v[pl.ds(i * LANES, LANES)]
            si = plsc.bitcast(sv, jnp.int32)
            uv = plsc.bitcast(si ^ ((si >> 31) | _I32_MIN), jnp.uint32)
            ge = uv >= thr
            gc = plsc.cumsum(jnp.where(ge, one, zero))
            pos = off + gc - 1
            gidx = lax.iota(jnp.int32, LANES) + i * LANES
            plsc.store_scatter(idxbuf_v, [pos], gidx, mask=ge)
            return off + gc[15]

        cnt_ge = lax.fori_loop(0, n_chunk, chunk, jnp.int32(0))

        @pl.when(cnt_ge > k_keep)
        def _fixup():
            def fchunk(j, carry):
                off2, tie = carry
                valid = (lax.iota(jnp.int32, LANES) + j * LANES) < cnt_ge
                cand = idxbuf_v[pl.ds(j * LANES, LANES)]
                svv = plsc.load_gather(s_v, [cand], mask=valid)
                siv = plsc.bitcast(svv, jnp.int32)
                uvv = plsc.bitcast(siv ^ ((siv >> 31) | _I32_MIN), jnp.uint32)
                eq = (uvv == thr) & valid
                eqc = plsc.cumsum(jnp.where(eq, one, zero))
                keep2 = valid & ~(eq & ((tie + eqc) > need))
                kc2 = plsc.cumsum(jnp.where(keep2, one, zero))
                pos2 = off2 + kc2 - 1
                plsc.store_scatter(idxbuf2_v, [pos2], cand, mask=keep2)
                return (off2 + kc2[15], tie + eqc[15])

            n2 = (cnt_ge + LANES - 1) // LANES
            lax.fori_loop(0, n2, fchunk, (jnp.int32(0), jnp.int32(0)))
            pltpu.sync_copy(idxbuf2_v.at[pl.ds(0, k_keep)], idx_hbm.at[b])

        @pl.when(cnt_ge <= k_keep)
        def _direct():
            pltpu.sync_copy(idxbuf_v.at[pl.ds(0, k_keep)], idx_hbm.at[b])

    plsc.subcore_barrier()

    b = c * rows_per_core + s // tiles_per_row
    base = (s % tiles_per_row) * rows_per_tile
    pltpu.sync_copy(idx_hbm.at[b, pl.ds(base, rows_per_tile)], gidx_v)

    boff = b * seq

    def addb(j, _):
        gidx2_v[pl.ds(j * LANES, LANES)] = (
            gidx_v[pl.ds(j * LANES, LANES)] + boff)
        return 0

    lax.fori_loop(0, rows_per_tile // LANES, addb, 0)

    nch = rows_per_tile // GCH
    bufs = (rows_a, rows_b)
    gsems = (gsem_a, gsem_b)
    osems = (osem_a, osem_b)

    def g_src(t):
        return x_hbm.at[gidx2_v.at[pl.ds(t * GCH, GCH)]]

    def o_dst(t):
        return tok_hbm.at[b, pl.ds(base + t * GCH, GCH)]

    gcp = {0: pltpu.async_copy(g_src(0), bufs[0], gsems[0])}
    ocp = {}
    for t in range(nch):
        pb = t & 1
        gcp[t].wait()
        if t >= 1:
            ocp[t - 1].wait()
        if t + 1 < nch:
            gcp[t + 1] = pltpu.async_copy(
                g_src(t + 1), bufs[(t + 1) & 1], gsems[(t + 1) & 1])
        ocp[t] = pltpu.async_copy(bufs[pb], o_dst(t), osems[pb])
    ocp[nch - 1].wait()


def kernel(x, W1, b1, W2, b2):
    batch, seq, dim = x.shape
    if seq <= MIN_SEQ_LEN:
        return x, None
    k_keep = max(1, int(seq * TARGET_RATIO))

    h = jax.nn.gelu(jnp.einsum("bsd,dh->bsh", x, W1) + b1, approximate=False)
    scores = (jnp.einsum("bsh,ho->bso", h, W2) + b2)[..., 0]

    params = pl.pallas_call(
        functools.partial(_params_body, k_keep, batch),
        out_shape=jax.ShapeDtypeStruct((batch, 128), jnp.uint32),
    )(scores)

    info = plsc.get_sparse_core_info()
    rows_per_core = batch // info.num_cores
    rows_per_tile = k_keep // (16 // rows_per_core)
    mesh = plsc.VectorSubcoreMesh(core_axis_name="c", subcore_axis_name="s")

    sc = pl.kernel(
        functools.partial(_sc_body, seq, k_keep, rows_per_core),
        out_type=[
            jax.ShapeDtypeStruct((batch, k_keep, dim), jnp.float32),
            jax.ShapeDtypeStruct((batch, k_keep), jnp.int32),
        ],
        mesh=mesh,
        compiler_params=pltpu.CompilerParams(needs_layout_passes=False),
        scratch_types=[
            pltpu.VMEM((seq,), jnp.float32),
            pltpu.VMEM((128,), jnp.uint32),
            pltpu.VMEM((seq,), jnp.int32),
            pltpu.VMEM((k_keep,), jnp.int32),
            pltpu.VMEM((rows_per_tile,), jnp.int32),
            pltpu.VMEM((rows_per_tile,), jnp.int32),
            pltpu.VMEM((GCH, dim), jnp.float32),
            pltpu.VMEM((GCH, dim), jnp.float32),
            pltpu.SemaphoreType.DMA,
            pltpu.SemaphoreType.DMA,
            pltpu.SemaphoreType.DMA,
            pltpu.SemaphoreType.DMA,
        ],
    )
    tokens, idx = sc(x.reshape(batch * seq, dim), scores, params)
    return tokens, idx

# --- scband reference (transcript-rebuilt; emitter-appended) ---
"""Pipeline reference for scband-token-eviction-layer-15805479649733 (READ-ONLY COPY).

The authoritative reference and input builder live on the scoring server;
editing this copy changes nothing except your own understanding.
"""

import jax, jax.numpy as jnp
import numpy as np

DIM = 768
HIDDEN = 128
TARGET_RATIO = 0.5
MIN_SEQ_LEN = 2048


def setup_inputs(seed: int = 0) -> dict:
    key = jax.random.key(seed)
    k1, k2, k3 = jax.random.split(key, 3)
    x = jax.random.normal(k1, (4, 8192, DIM), dtype=jnp.float32)
    # importance_scorer = Linear(dim, hidden) -> GELU -> Linear(hidden, 1)
    W1 = jax.random.normal(k2, (DIM, HIDDEN), dtype=jnp.float32) * 0.02
    b1 = jnp.zeros((HIDDEN,), dtype=jnp.float32)
    W2 = jax.random.normal(k3, (HIDDEN, 1), dtype=jnp.float32) * 0.02
    b2 = jnp.zeros((1,), dtype=jnp.float32)
    return {"x": x, "W1": W1, "b1": b1, "W2": W2, "b2": b2}


def reference(x, W1, b1, W2, b2):
    batch_size, seq_len, _ = x.shape
    if seq_len <= MIN_SEQ_LEN:
        return x, None
    # _score_tokens: importance_scorer(x).squeeze(-1)
    h = jax.nn.gelu(jnp.einsum("bsd,dh->bsh", x, W1) + b1, approximate=False)
    scores = (jnp.einsum("bsh,ho->bso", h, W2) + b2)[..., 0]  # [B, S]
    # _evict_tokens with keep_ratio = target_ratio
    num_keep = max(1, int(seq_len * TARGET_RATIO))
    _, indices = jax.lax.top_k(scores, num_keep)          # [B, num_keep]
    indices = jnp.sort(indices, axis=1)                   # restore temporal order
    kept_tokens = jnp.take_along_axis(x, indices[..., None], axis=1)  # [B, num_keep, D]
    return kept_tokens, indices

if __name__ == "__main__":
    import jax
    _d = setup_inputs()
    print(jax.jit(kernel)(*tuple(_d.values())))

</pallas_src>

<mosaic_0001>
#map = affine_map<(d0, d1) -> (0, 0)>
#map1 = affine_map<(d0, d1) -> (0, 0, 0)>
module attributes {stable_mosaic.version = 14 : i64} {
  func.func @_sc_body(%arg0: i32, %arg1: i32, %arg2: memref<32768x768xf32, #tpu.memory_space<hbm>>, %arg3: memref<4x8192xf32, #tpu.memory_space<hbm>>, %arg4: memref<4x128xi32, #tpu.memory_space<hbm>>, %arg5: memref<4x4096x768xf32, #tpu.memory_space<hbm>>, %arg6: memref<4x4096xi32, #tpu.memory_space<hbm>>, %arg7: memref<8192xf32, #tpu.memory_space<vmem>>, %arg8: memref<128xi32, #tpu.memory_space<vmem>>, %arg9: memref<8192xi32, #tpu.memory_space<vmem>>, %arg10: memref<4096xi32, #tpu.memory_space<vmem>>, %arg11: memref<512xi32, #tpu.memory_space<vmem>>, %arg12: memref<512xi32, #tpu.memory_space<vmem>>, %arg13: memref<32x768xf32, #tpu.memory_space<vmem>>, %arg14: memref<32x768xf32, #tpu.memory_space<vmem>>, %arg15: memref<!tpu.dma_semaphore, #tpu.memory_space<semaphore_mem>>, %arg16: memref<!tpu.dma_semaphore, #tpu.memory_space<semaphore_mem>>, %arg17: memref<!tpu.dma_semaphore, #tpu.memory_space<semaphore_mem>>, %arg18: memref<!tpu.dma_semaphore, #tpu.memory_space<semaphore_mem>>) attributes {dimension_semantics = [#tpu.dimension_semantics<core_parallel>, #tpu.dimension_semantics<subcore_parallel>], iteration_bounds = array<i64: 2, 16>, scalar_prefetch = 0 : i64, scratch_operands = 12 : i64, tpu.core_type = #tpu.core_type<sc_vector_subcore>, window_params = [{transform_indices = #map}, {transform_indices = #map}, {transform_indices = #map}, {transform_indices = #map1}, {transform_indices = #map}]} {
    %lt3A = arith.constant 2 : i32
    %lt3A_0 = arith.cmpi slt, %arg1, %lt3A : i32
    %convert_element_type3A = arith.extui %lt3A_0 : i1 to i32
    %cond3A = arith.constant 0 : i32
    %cond3A_1 = arith.cmpi ne, %convert_element_type3A, %cond3A : i32
    scf.if %cond3A_1 {
      %mul3A_426 = arith.constant 2 : i32
      %mul3A_427 = arith.muli %arg0, %mul3A_426 : i32
      %add3A_428 = arith.addi %mul3A_427, %arg1 : i32
      "tpu.region"() ({
        %run_scoped3A = tpu.sem_alloc : memref<!tpu.dma_semaphore, #tpu.memory_space<semaphore_mem>>
        %dma_start3A_450 = arith.constant 0 : i32
        %dma_start3A_451 = tpu.memref_slice %arg3[%add3A_428, %dma_start3A_450] : memref<4x8192xf32, #tpu.memory_space<hbm>> -> memref<1x8192xf32, #tpu.memory_space<hbm>>
        %dma_start3A_452 = tpu.memref_squeeze %dma_start3A_451 : memref<1x8192xf32, #tpu.memory_space<hbm>> -> memref<8192xf32, #tpu.memory_space<hbm>>
        %dma_start3A_453 = arith.constant 0 : i32
        %dma_start3A_454 = tpu.memref_slice %arg3[%add3A_428, %dma_start3A_453] : memref<4x8192xf32, #tpu.memory_space<hbm>> -> memref<1x8192xf32, #tpu.memory_space<hbm>>
        %dma_start3A_455 = tpu.memref_squeeze %dma_start3A_454 : memref<1x8192xf32, #tpu.memory_space<hbm>> -> memref<8192xf32, #tpu.memory_space<hbm>>
        tpu.enqueue_dma source(%dma_start3A_455 : memref<8192xf32, #tpu.memory_space<hbm>>) target(%arg7 : memref<8192xf32, #tpu.memory_space<vmem>>) target_semaphore(%run_scoped3A : memref<!tpu.dma_semaphore, #tpu.memory_space<semaphore_mem>>)
        %dma_wait3A_456 = arith.constant 0 : i32
        %dma_wait3A_457 = tpu.memref_slice %arg3[%add3A_428, %dma_wait3A_456] : memref<4x8192xf32, #tpu.memory_space<hbm>> -> memref<1x8192xf32, #tpu.memory_space<hbm>>
        %dma_wait3A_458 = tpu.memref_squeeze %dma_wait3A_457 : memref<1x8192xf32, #tpu.memory_space<hbm>> -> memref<8192xf32, #tpu.memory_space<hbm>>
        %dma_wait3A_459 = arith.constant 0 : i32
        %dma_wait3A_460 = tpu.memref_slice %arg3[%add3A_428, %dma_wait3A_459] : memref<4x8192xf32, #tpu.memory_space<hbm>> -> memref<1x8192xf32, #tpu.memory_space<hbm>>
        %dma_wait3A_461 = tpu.memref_squeeze %dma_wait3A_460 : memref<1x8192xf32, #tpu.memory_space<hbm>> -> memref<8192xf32, #tpu.memory_space<hbm>>
        tpu.wait_dma2 semaphore(%run_scoped3A : memref<!tpu.dma_semaphore, #tpu.memory_space<semaphore_mem>>) src(%dma_wait3A_461 : memref<8192xf32, #tpu.memory_space<hbm>>) dst(%arg7 : memref<8192xf32, #tpu.memory_space<vmem>>)
        tpu.yield
      }) : () -> ()
      "tpu.region"() ({
        %run_scoped3A = tpu.sem_alloc : memref<!tpu.dma_semaphore, #tpu.memory_space<semaphore_mem>>
        %dma_start3A_450 = arith.constant 0 : i32
        %dma_start3A_451 = tpu.memref_slice %arg4[%add3A_428, %dma_start3A_450] : memref<4x128xi32, #tpu.memory_space<hbm>> -> memref<1x128xi32, #tpu.memory_space<hbm>>
        %dma_start3A_452 = tpu.memref_squeeze %dma_start3A_451 : memref<1x128xi32, #tpu.memory_space<hbm>> -> memref<128xi32, #tpu.memory_space<hbm>>
        %dma_start3A_453 = arith.constant 0 : i32
        %dma_start3A_454 = tpu.memref_slice %arg4[%add3A_428, %dma_start3A_453] : memref<4x128xi32, #tpu.memory_space<hbm>> -> memref<1x128xi32, #tpu.memory_space<hbm>>
        %dma_start3A_455 = tpu.memref_squeeze %dma_start3A_454 : memref<1x128xi32, #tpu.memory_space<hbm>> -> memref<128xi32, #tpu.memory_space<hbm>>
        tpu.enqueue_dma source(%dma_start3A_455 : memref<128xi32, #tpu.memory_space<hbm>>) target(%arg8 : memref<128xi32, #tpu.memory_space<vmem>>) target_semaphore(%run_scoped3A : memref<!tpu.dma_semaphore, #tpu.memory_space<semaphore_mem>>)
        %dma_wait3A_456 = arith.constant 0 : i32
        %dma_wait3A_457 = tpu.memref_slice %arg4[%add3A_428, %dma_wait3A_456] : memref<4x128xi32, #tpu.memory_space<hbm>> -> memref<1x128xi32, #tpu.memory_space<hbm>>
        %dma_wait3A_458 = tpu.memref_squeeze %dma_wait3A_457 : memref<1x128xi32, #tpu.memory_space<hbm>> -> memref<128xi32, #tpu.memory_space<hbm>>
        %dma_wait3A_459 = arith.constant 0 : i32
        %dma_wait3A_460 = tpu.memref_slice %arg4[%add3A_428, %dma_wait3A_459] : memref<4x128xi32, #tpu.memory_space<hbm>> -> memref<1x128xi32, #tpu.memory_space<hbm>>
        %dma_wait3A_461 = tpu.memref_squeeze %dma_wait3A_460 : memref<1x128xi32, #tpu.memory_space<hbm>> -> memref<128xi32, #tpu.memory_space<hbm>>
        tpu.wait_dma2 semaphore(%run_scoped3A : memref<!tpu.dma_semaphore, #tpu.memory_space<semaphore_mem>>) src(%dma_wait3A_461 : memref<128xi32, #tpu.memory_space<hbm>>) dst(%arg8 : memref<128xi32, #tpu.memory_space<vmem>>)
        tpu.yield
      }) : () -> ()
      %get3A = arith.constant 0 : index
      %get3A_429 = tpu.vector_load %arg8[%get3A] {strides = array<i32>} : memref<128xi32, #tpu.memory_space<vmem>>, vector<16xi32>,
      %slice3A = vector.extract_strided_slice %get3A_429 {offsets = [0], sizes = [1], strides = [1]} : vector<16xi32> to vector<1xi32>
      %squeeze3A = vector.extract %slice3A[0] : i32 from vector<1xi32>
      %slice3A_430 = vector.extract_strided_slice %get3A_429 {offsets = [1], sizes = [1], strides = [1]} : vector<16xi32> to vector<1xi32>
      %squeeze3A_431 = vector.extract %slice3A_430[0] : i32 from vector<1xi32>
      %broadcast_in_dim3A = arith.constant 0 : i32
      %broadcast_in_dim3A_432 = vector.broadcast %broadcast_in_dim3A : i32 to vector<16xi32>
      %broadcast_in_dim3A_433 = arith.constant 1 : i32
      %broadcast_in_dim3A_434 = vector.broadcast %broadcast_in_dim3A_433 : i32 to vector<16xi32>
      %scan3A_435 = arith.constant 0 : i32
      %scan3A_436 = arith.constant 0 : i32
      %scan3A_437 = arith.constant 512 : i32
      %scan3A_438 = arith.addi %scan3A_436, %scan3A_437 : i32
      %scan3A_439 = arith.constant 1 : i32
      %scan3A_440 = scf.for %scan3A_450 = %scan3A_436 to %scan3A_438 step %scan3A_439 iter_args(%scan3A_451 = %scan3A_435) -> (i32)  : i32 {
        %mul3A_452 = arith.constant 16 : i32
        %mul3A_453 = arith.muli %scan3A_450, %mul3A_452 : i32
        %get3A_454 = arith.index_cast %mul3A_453 : i32 to index
        %get3A_455 = tpu.vector_load %arg7[%get3A_454] {strides = array<i32>} : memref<8192xf32, #tpu.memory_space<vmem>>, vector<16xf32>,
        %bitcast3A = vector.bitcast %get3A_455 : vector<16xf32> to vector<16xi32>
        %shift_right_arithmetic3A = arith.constant 31 : i32
        %shift_right_arithmetic3A_456 = vector.broadcast %shift_right_arithmetic3A : i32 to vector<16xi32>
        %shift_right_arithmetic3A_457 = arith.shrsi %bitcast3A, %shift_right_arithmetic3A_456 : vector<16xi32>
        %or3A = arith.constant -2147483648 : i32
        %or3A_458 = vector.broadcast %or3A : i32 to vector<16xi32>
        %or3A_459 = arith.ori %shift_right_arithmetic3A_457, %or3A_458 : vector<16xi32>
        %xor3A = arith.xori %bitcast3A, %or3A_459 : vector<16xi32>
        %bitcast3A_460 = vector.bitcast %xor3A : vector<16xi32> to vector<16xi32>
        %ge3A = vector.broadcast %squeeze3A : i32 to vector<16xi32>
        %ge3A_461 = arith.cmpi uge, %bitcast3A_460, %ge3A : vector<16xi32>
        %select_n3A_462 = arith.select %ge3A_461, %broadcast_in_dim3A_434, %broadcast_in_dim3A_432 : vector<16xi1>, vector<16xi32>
        %broadcast_in_dim3A_463 = arith.constant true
        %broadcast_in_dim3A_464 = vector.broadcast %broadcast_in_dim3A_463 : i1 to vector<16xi1>
        %masked_cumsum3A = tpu.scan <sum>, %select_n3A_462 masked %broadcast_in_dim3A_464 : vector<16xi32>, vector<16xi1> -> vector<16xi32>
        %add3A_465 = vector.broadcast %scan3A_451 : i32 to vector<16xi32>
        %add3A_466 = arith.addi %add3A_465, %masked_cumsum3A : vector<16xi32>
        %sub3A_467 = arith.constant 1 : i32
        %sub3A_468 = vector.broadcast %sub3A_467 : i32 to vector<16xi32>
        %sub3A_469 = arith.subi %add3A_466, %sub3A_468 : vector<16xi32>
        %iota3A = tpu.iota {dimensions = array<i32: 0>} : vector<16xi32>
        %mul3A_470 = arith.constant 16 : i32
        %mul3A_471 = arith.muli %scan3A_450, %mul3A_470 : i32
        %add3A_472 = vector.broadcast %mul3A_471 : i32 to vector<16xi32>
        %add3A_473 = arith.addi %iota3A, %add3A_472 : vector<16xi32>
        tpu.vector_store_idx %arg9[%sub3A_469], %add3A_473 masked %ge3A_461 : memref<8192xi32, #tpu.memory_space<vmem>>[vector<16xi32>], vector<16xi32>, vector<16xi1>
        %slice3A_474 = vector.extract_strided_slice %masked_cumsum3A {offsets = [15], sizes = [1], strides = [1]} : vector<16xi32> to vector<1xi32>
        %squeeze3A_475 = vector.extract %slice3A_474[0] : i32 from vector<1xi32>
        %add3A_476 = arith.addi %scan3A_451, %squeeze3A_475 : i32
        scf.yield %add3A_476 : i32
      }
      %scan3A_441 = arith.constant 512 : i32
      %gt3A = arith.constant 4096 : i32
      %gt3A_442 = arith.cmpi sgt, %scan3A_440, %gt3A : i32
      %convert_element_type3A_443 = arith.extui %gt3A_442 : i1 to i32
      %cond3A_444 = arith.constant 0 : i32
      %cond3A_445 = arith.cmpi ne, %convert_element_type3A_443, %cond3A_444 : i32
      scf.if %cond3A_445 {
        %add3A_450 = arith.constant 16 : i32
        %add3A_451 = arith.addi %scan3A_440, %add3A_450 : i32
        %sub3A_452 = arith.constant 1 : i32
        %sub3A_453 = arith.subi %add3A_451, %sub3A_452 : i32
        %jit3A_454 = arith.constant 16 : i32
        %div3A_455 = arith.divsi %sub3A_453, %jit3A_454 : i32
        %sign3A_456 = arith.constant 0 : i32
        %sign3A_457 = arith.cmpi sgt, %sub3A_453, %sign3A_456 : i32
        %sign3A_458 = arith.extui %sign3A_457 : i1 to i32
        %sign3A_459 = arith.constant 0 : i32
        %sign3A_460 = arith.cmpi slt, %sub3A_453, %sign3A_459 : i32
        %sign3A_461 = arith.extui %sign3A_460 : i1 to i32
        %sign3A_462 = arith.subi %sign3A_458, %sign3A_461 : i32
        %sign3A_463 = arith.constant 0 : i32
        %sign3A_464 = arith.cmpi sgt, %jit3A_454, %sign3A_463 : i32
        %sign3A_465 = arith.extui %sign3A_464 : i1 to i32
        %sign3A_466 = arith.constant 0 : i32
        %sign3A_467 = arith.cmpi slt, %jit3A_454, %sign3A_466 : i32
        %sign3A_468 = arith.extui %sign3A_467 : i1 to i32
        %sign3A_469 = arith.subi %sign3A_465, %sign3A_468 : i32
        %ne3A_470 = arith.cmpi ne, %sign3A_462, %sign3A_469 : i32
        %rem3A_471 = arith.remsi %sub3A_453, %jit3A_454 : i32
        %ne3A_472 = arith.constant 0 : i32
        %ne3A_473 = arith.cmpi ne, %rem3A_471, %ne3A_472 : i32
        %and3A_474 = arith.andi %ne3A_470, %ne3A_473 : i1
        %sub3A_475 = arith.constant 1 : i32
        %sub3A_476 = arith.subi %div3A_455, %sub3A_475 : i32
        %select_n3A_477 = arith.select %and3A_474, %sub3A_476, %div3A_455 : i32
        %while3A = arith.constant 0 : i32
        %while3A_478 = arith.constant 0 : i32
        %while3A_479 = arith.constant 0 : i32
        %while3A_480 = arith.subi %select_n3A_477, %while3A : i32
        %while3A_481 = arith.addi %while3A, %while3A_480 : i32
        %while3A_482 = arith.constant 1 : i32
        %while3A_483 = arith.divsi %while3A_480, %while3A_482 : i32
        %while3A_484 = arith.muli %while3A_483, %while3A_482 : i32
        %while3A_485 = arith.addi %while3A, %while3A_484 : i32
        %while3A_486 = arith.constant 1 : i32
        %while3A_487:2 = scf.for %while3A_490 = %while3A to %while3A_485 step %while3A_486 iter_args(%while3A_491 = %while3A_478, %while3A_492 = %while3A_479) -> (i32, i32)  : i32 {
          %iota3A = tpu.iota {dimensions = array<i32: 0>} : vector<16xi32>
          %mul3A_493 = arith.constant 16 : i32
          %mul3A_494 = arith.muli %while3A_490, %mul3A_493 : i32
          %add3A_495 = vector.broadcast %mul3A_494 : i32 to vector<16xi32>
          %add3A_496 = arith.addi %iota3A, %add3A_495 : vector<16xi32>
          %lt3A_497 = vector.broadcast %scan3A_440 : i32 to vector<16xi32>
          %lt3A_498 = arith.cmpi slt, %add3A_496, %lt3A_497 : vector<16xi32>
          %mul3A_499 = arith.constant 16 : i32
          %mul3A_500 = arith.muli %while3A_490, %mul3A_499 : i32
          %get3A_501 = arith.index_cast %mul3A_500 : i32 to index
          %get3A_502 = tpu.vector_load %arg9[%get3A_501] {strides = array<i32>} : memref<8192xi32, #tpu.memory_space<vmem>>, vector<16xi32>,
          %gather3A = tpu.vector_load_idx %arg7[%get3A_502] masked %lt3A_498 : memref<8192xf32, #tpu.memory_space<vmem>>[vector<16xi32>], vector<16xf32>, vector<16xi1>
          %bitcast3A = vector.bitcast %gather3A : vector<16xf32> to vector<16xi32>
          %shift_right_arithmetic3A = arith.constant 31 : i32
          %shift_right_arithmetic3A_503 = vector.broadcast %shift_right_arithmetic3A : i32 to vector<16xi32>
          %shift_right_arithmetic3A_504 = arith.shrsi %bitcast3A, %shift_right_arithmetic3A_503 : vector<16xi32>
          %or3A = arith.constant -2147483648 : i32
          %or3A_505 = vector.broadcast %or3A : i32 to vector<16xi32>
          %or3A_506 = arith.ori %shift_right_arithmetic3A_504, %or3A_505 : vector<16xi32>
          %xor3A = arith.xori %bitcast3A, %or3A_506 : vector<16xi32>
          %bitcast3A_507 = vector.bitcast %xor3A : vector<16xi32> to vector<16xi32>
          %eq3A_508 = vector.broadcast %squeeze3A : i32 to vector<16xi32>
          %eq3A_509 = arith.cmpi eq, %bitcast3A_507, %eq3A_508 : vector<16xi32>
          %and3A_510 = arith.andi %eq3A_509, %lt3A_498 : vector<16xi1>
          %select_n3A_511 = arith.select %and3A_510, %broadcast_in_dim3A_434, %broadcast_in_dim3A_432 : vector<16xi1>, vector<16xi32>
          %broadcast_in_dim3A_512 = arith.constant true
          %broadcast_in_dim3A_513 = vector.broadcast %broadcast_in_dim3A_512 : i1 to vector<16xi1>
          %masked_cumsum3A = tpu.scan <sum>, %select_n3A_511 masked %broadcast_in_dim3A_513 : vector<16xi32>, vector<16xi1> -> vector<16xi32>
          %add3A_514 = vector.broadcast %while3A_492 : i32 to vector<16xi32>
          %add3A_515 = arith.addi %add3A_514, %masked_cumsum3A : vector<16xi32>
          %gt3A_516 = vector.broadcast %squeeze3A_431 : i32 to vector<16xi32>
          %gt3A_517 = arith.cmpi sgt, %add3A_515, %gt3A_516 : vector<16xi32>
          %and3A_518 = arith.andi %and3A_510, %gt3A_517 : vector<16xi1>
          %not3A = arith.constant dense<true> : vector<16xi1>
          %not3A_519 = arith.xori %and3A_518, %not3A : vector<16xi1>
          %and3A_520 = arith.andi %lt3A_498, %not3A_519 : vector<16xi1>
          %select_n3A_521 = arith.select %and3A_520, %broadcast_in_dim3A_434, %broadcast_in_dim3A_432 : vector<16xi1>, vector<16xi32>
          %broadcast_in_dim3A_522 = arith.constant true
          %broadcast_in_dim3A_523 = vector.broadcast %broadcast_in_dim3A_522 : i1 to vector<16xi1>
          %masked_cumsum3A_524 = tpu.scan <sum>, %select_n3A_521 masked %broadcast_in_dim3A_523 : vector<16xi32>, vector<16xi1> -> vector<16xi32>
          %add3A_525 = vector.broadcast %while3A_491 : i32 to vector<16xi32>
          %add3A_526 = arith.addi %add3A_525, %masked_cumsum3A_524 : vector<16xi32>
          %sub3A_527 = arith.constant 1 : i32
          %sub3A_528 = vector.broadcast %sub3A_527 : i32 to vector<16xi32>
          %sub3A_529 = arith.subi %add3A_526, %sub3A_528 : vector<16xi32>
          tpu.vector_store_idx %arg10[%sub3A_529], %get3A_502 masked %and3A_520 : memref<4096xi32, #tpu.memory_space<vmem>>[vector<16xi32>], vector<16xi32>, vector<16xi1>
          %slice3A_530 = vector.extract_strided_slice %masked_cumsum3A_524 {offsets = [15], sizes = [1], strides = [1]} : vector<16xi32> to vector<1xi32>
          %squeeze3A_531 = vector.extract %slice3A_530[0] : i32 from vector<1xi32>
          %add3A_532 = arith.addi %while3A_491, %squeeze3A_531 : i32
          %slice3A_533 = vector.extract_strided_slice %masked_cumsum3A {offsets = [15], sizes = [1], strides = [1]} : vector<16xi32> to vector<1xi32>
          %squeeze3A_534 = vector.extract %slice3A_533[0] : i32 from vector<1xi32>
          %add3A_535 = arith.addi %while3A_492, %squeeze3A_534 : i32
          scf.yield %add3A_532, %add3A_535 : i32, i32
        }
        %while3A_488 = arith.constant 1 : i32
        %while3A_489:2 = scf.for %while3A_490 = %while3A_485 to %while3A_481 step %while3A_488 iter_args(%while3A_491 = %while3A_487#0, %while3A_492 = %while3A_487#1) -> (i32, i32)  : i32 {
          %iota3A = tpu.iota {dimensions = array<i32: 0>} : vector<16xi32>
          %mul3A_493 = arith.constant 16 : i32
          %mul3A_494 = arith.muli %while3A_490, %mul3A_493 : i32
          %add3A_495 = vector.broadcast %mul3A_494 : i32 to vector<16xi32>
          %add3A_496 = arith.addi %iota3A, %add3A_495 : vector<16xi32>
          %lt3A_497 = vector.broadcast %scan3A_440 : i32 to vector<16xi32>
          %lt3A_498 = arith.cmpi slt, %add3A_496, %lt3A_497 : vector<16xi32>
          %mul3A_499 = arith.constant 16 : i32
          %mul3A_500 = arith.muli %while3A_490, %mul3A_499 : i32
          %get3A_501 = arith.index_cast %mul3A_500 : i32 to index
          %get3A_502 = tpu.vector_load %arg9[%get3A_501] {strides = array<i32>} : memref<8192xi32, #tpu.memory_space<vmem>>, vector<16xi32>,
          %gather3A = tpu.vector_load_idx %arg7[%get3A_502] masked %lt3A_498 : memref<8192xf32, #tpu.memory_space<vmem>>[vector<16xi32>], vector<16xf32>, vector<16xi1>
          %bitcast3A = vector.bitcast %gather3A : vector<16xf32> to vector<16xi32>
          %shift_right_arithmetic3A = arith.constant 31 : i32
          %shift_right_arithmetic3A_503 = vector.broadcast %shift_right_arithmetic3A : i32 to vector<16xi32>
          %shift_right_arithmetic3A_504 = arith.shrsi %bitcast3A, %shift_right_arithmetic3A_503 : vector<16xi32>
          %or3A = arith.constant -2147483648 : i32
          %or3A_505 = vector.broadcast %or3A : i32 to vector<16xi32>
          %or3A_506 = arith.ori %shift_right_arithmetic3A_504, %or3A_505 : vector<16xi32>
          %xor3A = arith.xori %bitcast3A, %or3A_506 : vector<16xi32>
          %bitcast3A_507 = vector.bitcast %xor3A : vector<16xi32> to vector<16xi32>
          %eq3A_508 = vector.broadcast %squeeze3A : i32 to vector<16xi32>
          %eq3A_509 = arith.cmpi eq, %bitcast3A_507, %eq3A_508 : vector<16xi32>
          %and3A_510 = arith.andi %eq3A_509, %lt3A_498 : vector<16xi1>
          %select_n3A_511 = arith.select %and3A_510, %broadcast_in_dim3A_434, %broadcast_in_dim3A_432 : vector<16xi1>, vector<16xi32>
          %broadcast_in_dim3A_512 = arith.constant true
          %broadcast_in_dim3A_513 = vector.broadcast %broadcast_in_dim3A_512 : i1 to vector<16xi1>
          %masked_cumsum3A = tpu.scan <sum>, %select_n3A_511 masked %broadcast_in_dim3A_513 : vector<16xi32>, vector<16xi1> -> vector<16xi32>
          %add3A_514 = vector.broadcast %while3A_492 : i32 to vector<16xi32>
          %add3A_515 = arith.addi %add3A_514, %masked_cumsum3A : vector<16xi32>
          %gt3A_516 = vector.broadcast %squeeze3A_431 : i32 to vector<16xi32>
          %gt3A_517 = arith.cmpi sgt, %add3A_515, %gt3A_516 : vector<16xi32>
          %and3A_518 = arith.andi %and3A_510, %gt3A_517 : vector<16xi1>
          %not3A = arith.constant dense<true> : vector<16xi1>
          %not3A_519 = arith.xori %and3A_518, %not3A : vector<16xi1>
          %and3A_520 = arith.andi %lt3A_498, %not3A_519 : vector<16xi1>
          %select_n3A_521 = arith.select %and3A_520, %broadcast_in_dim3A_434, %broadcast_in_dim3A_432 : vector<16xi1>, vector<16xi32>
          %broadcast_in_dim3A_522 = arith.constant true
          %broadcast_in_dim3A_523 = vector.broadcast %broadcast_in_dim3A_522 : i1 to vector<16xi1>
          %masked_cumsum3A_524 = tpu.scan <sum>, %select_n3A_521 masked %broadcast_in_dim3A_523 : vector<16xi32>, vector<16xi1> -> vector<16xi32>
          %add3A_525 = vector.broadcast %while3A_491 : i32 to vector<16xi32>
          %add3A_526 = arith.addi %add3A_525, %masked_cumsum3A_524 : vector<16xi32>
          %sub3A_527 = arith.constant 1 : i32
          %sub3A_528 = vector.broadcast %sub3A_527 : i32 to vector<16xi32>
          %sub3A_529 = arith.subi %add3A_526, %sub3A_528 : vector<16xi32>
          tpu.vector_store_idx %arg10[%sub3A_529], %get3A_502 masked %and3A_520 : memref<4096xi32, #tpu.memory_space<vmem>>[vector<16xi32>], vector<16xi32>, vector<16xi1>
          %slice3A_530 = vector.extract_strided_slice %masked_cumsum3A_524 {offsets = [15], sizes = [1], strides = [1]} : vector<16xi32> to vector<1xi32>
          %squeeze3A_531 = vector.extract %slice3A_530[0] : i32 from vector<1xi32>
          %add3A_532 = arith.addi %while3A_491, %squeeze3A_531 : i32
          %slice3A_533 = vector.extract_strided_slice %masked_cumsum3A {offsets = [15], sizes = [1], strides = [1]} : vector<16xi32> to vector<1xi32>
          %squeeze3A_534 = vector.extract %slice3A_533[0] : i32 from vector<1xi32>
          %add3A_535 = arith.addi %while3A_492, %squeeze3A_534 : i32
          scf.yield %add3A_532, %add3A_535 : i32, i32
        }
        "tpu.region"() ({
          %run_scoped3A = tpu.sem_alloc : memref<!tpu.dma_semaphore, #tpu.memory_space<semaphore_mem>>
          %dma_start3A_490 = arith.constant 0 : i32
          %dma_start3A_491 = tpu.memref_slice %arg10[%dma_start3A_490] : memref<4096xi32, #tpu.memory_space<vmem>> -> memref<4096xi32, #tpu.memory_space<vmem>>
          %dma_start3A_492 = arith.constant 0 : i32
          %dma_start3A_493 = tpu.memref_slice %arg6[%add3A_428, %dma_start3A_492] : memref<4x4096xi32, #tpu.memory_space<hbm>> -> memref<1x4096xi32, #tpu.memory_space<hbm>>
          %dma_start3A_494 = tpu.memref_squeeze %dma_start3A_493 : memref<1x4096xi32, #tpu.memory_space<hbm>> -> memref<4096xi32, #tpu.memory_space<hbm>>
          %dma_start3A_495 = arith.constant 0 : i32
          %dma_start3A_496 = tpu.memref_slice %arg6[%add3A_428, %dma_start3A_495] : memref<4x4096xi32, #tpu.memory_space<hbm>> -> memref<1x4096xi32, #tpu.memory_space<hbm>>
          %dma_start3A_497 = tpu.memref_squeeze %dma_start3A_496 : memref<1x4096xi32, #tpu.memory_space<hbm>> -> memref<4096xi32, #tpu.memory_space<hbm>>
          %dma_start3A_498 = arith.constant 0 : i32
          %dma_start3A_499 = tpu.memref_slice %arg10[%dma_start3A_498] : memref<4096xi32, #tpu.memory_space<vmem>> -> memref<4096xi32, #tpu.memory_space<vmem>>
          tpu.enqueue_dma source(%dma_start3A_499 : memref<4096xi32, #tpu.memory_space<vmem>>) target(%dma_start3A_497 : memref<4096xi32, #tpu.memory_space<hbm>>) target_semaphore(%run_scoped3A : memref<!tpu.dma_semaphore, #tpu.memory_space<semaphore_mem>>)
          %dma_wait3A_500 = arith.constant 0 : i32
          %dma_wait3A_501 = tpu.memref_slice %arg10[%dma_wait3A_500] : memref<4096xi32, #tpu.memory_space<vmem>> -> memref<4096xi32, #tpu.memory_space<vmem>>
          %dma_wait3A_502 = arith.constant 0 : i32
          %dma_wait3A_503 = tpu.memref_slice %arg6[%add3A_428, %dma_wait3A_502] : memref<4x4096xi32, #tpu.memory_space<hbm>> -> memref<1x4096xi32, #tpu.memory_space<hbm>>
          %dma_wait3A_504 = tpu.memref_squeeze %dma_wait3A_503 : memref<1x4096xi32, #tpu.memory_space<hbm>> -> memref<4096xi32, #tpu.memory_space<hbm>>
          %dma_wait3A_505 = arith.constant 0 : i32
          %dma_wait3A_506 = tpu.memref_slice %arg6[%add3A_428, %dma_wait3A_505] : memref<4x4096xi32, #tpu.memory_space<hbm>> -> memref<1x4096xi32, #tpu.memory_space<hbm>>
          %dma_wait3A_507 = tpu.memref_squeeze %dma_wait3A_506 : memref<1x4096xi32, #tpu.memory_space<hbm>> -> memref<4096xi32, #tpu.memory_space<hbm>>
          %dma_wait3A_508 = arith.constant 0 : i32
          %dma_wait3A_509 = tpu.memref_slice %arg10[%dma_wait3A_508] : memref<4096xi32, #tpu.memory_space<vmem>> -> memref<4096xi32, #tpu.memory_space<vmem>>
          tpu.wait_dma2 semaphore(%run_scoped3A : memref<!tpu.dma_semaphore, #tpu.memory_space<semaphore_mem>>) src(%dma_wait3A_509 : memref<4096xi32, #tpu.memory_space<vmem>>) dst(%dma_wait3A_507 : memref<4096xi32, #tpu.memory_space<hbm>>)
          tpu.yield
        }) : () -> ()
      } else {
      }
      %le3A = arith.constant 4096 : i32
      %le3A_446 = arith.cmpi sle, %scan3A_440, %le3A : i32
      %convert_element_type3A_447 = arith.extui %le3A_446 : i1 to i32
      %cond3A_448 = arith.constant 0 : i32
      %cond3A_449 = arith.cmpi ne, %convert_element_type3A_447, %cond3A_448 : i32
      scf.if %cond3A_449 {
        "tpu.region"() ({
          %run_scoped3A = tpu.sem_alloc : memref<!tpu.dma_semaphore, #tpu.memory_space<semaphore_mem>>
          %dma_start3A_450 = arith.constant 0 : i32
          %dma_start3A_451 = tpu.memref_slice %arg9[%dma_start3A_450] : memref<8192xi32, #tpu.memory_space<vmem>> -> memref<4096xi32, #tpu.memory_space<vmem>>
          %dma_start3A_452 = arith.constant 0 : i32
          %dma_start3A_453 = tpu.memref_slice %arg6[%add3A_428, %dma_start3A_452] : memref<4x4096xi32, #tpu.memory_space<hbm>> -> memref<1x4096xi32, #tpu.memory_space<hbm>>
          %dma_start3A_454 = tpu.memref_squeeze %dma_start3A_453 : memref<1x4096xi32, #tpu.memory_space<hbm>> -> memref<4096xi32, #tpu.memory_space<hbm>>
          %dma_start3A_455 = arith.constant 0 : i32
          %dma_start3A_456 = tpu.memref_slice %arg6[%add3A_428, %dma_start3A_455] : memref<4x4096xi32, #tpu.memory_space<hbm>> -> memref<1x4096xi32, #tpu.memory_space<hbm>>
          %dma_start3A_457 = tpu.memref_squeeze %dma_start3A_456 : memref<1x4096xi32, #tpu.memory_space<hbm>> -> memref<4096xi32, #tpu.memory_space<hbm>>
          %dma_start3A_458 = arith.constant 0 : i32
          %dma_start3A_459 = tpu.memref_slice %arg9[%dma_start3A_458] : memref<8192xi32, #tpu.memory_space<vmem>> -> memref<4096xi32, #tpu.memory_space<vmem>>
          tpu.enqueue_dma source(%dma_start3A_459 : memref<4096xi32, #tpu.memory_space<vmem>>) target(%dma_start3A_457 : memref<4096xi32, #tpu.memory_space<hbm>>) target_semaphore(%run_scoped3A : memref<!tpu.dma_semaphore, #tpu.memory_space<semaphore_mem>>)
          %dma_wait3A_460 = arith.constant 0 : i32
          %dma_wait3A_461 = tpu.memref_slice %arg9[%dma_wait3A_460] : memref<8192xi32, #tpu.memory_space<vmem>> -> memref<4096xi32, #tpu.memory_space<vmem>>
          %dma_wait3A_462 = arith.constant 0 : i32
          %dma_wait3A_463 = tpu.memref_slice %arg6[%add3A_428, %dma_wait3A_462] : memref<4x4096xi32, #tpu.memory_space<hbm>> -> memref<1x4096xi32, #tpu.memory_space<hbm>>
          %dma_wait3A_464 = tpu.memref_squeeze %dma_wait3A_463 : memref<1x4096xi32, #tpu.memory_space<hbm>> -> memref<4096xi32, #tpu.memory_space<hbm>>
          %dma_wait3A_465 = arith.constant 0 : i32
          %dma_wait3A_466 = tpu.memref_slice %arg6[%add3A_428, %dma_wait3A_465] : memref<4x4096xi32, #tpu.memory_space<hbm>> -> memref<1x4096xi32, #tpu.memory_space<hbm>>
          %dma_wait3A_467 = tpu.memref_squeeze %dma_wait3A_466 : memref<1x4096xi32, #tpu.memory_space<hbm>> -> memref<4096xi32, #tpu.memory_space<hbm>>
          %dma_wait3A_468 = arith.constant 0 : i32
          %dma_wait3A_469 = tpu.memref_slice %arg9[%dma_wait3A_468] : memref<8192xi32, #tpu.memory_space<vmem>> -> memref<4096xi32, #tpu.memory_space<vmem>>
          tpu.wait_dma2 semaphore(%run_scoped3A : memref<!tpu.dma_semaphore, #tpu.memory_space<semaphore_mem>>) src(%dma_wait3A_469 : memref<4096xi32, #tpu.memory_space<vmem>>) dst(%dma_wait3A_467 : memref<4096xi32, #tpu.memory_space<hbm>>)
          tpu.yield
        }) : () -> ()
      } else {
      }
    } else {
    }
    %barrier3A = arith.constant 0 : index
    tpu.barrier barrier_id(%barrier3A)
    %mul3A = arith.constant 2 : i32
    %mul3A_2 = arith.muli %arg0, %mul3A : i32
    %jit3A = arith.constant 8 : i32
    %div3A = arith.divsi %arg1, %jit3A : i32
    %sign3A = arith.constant 0 : i32
    %sign3A_3 = arith.cmpi sgt, %arg1, %sign3A : i32
    %sign3A_4 = arith.extui %sign3A_3 : i1 to i32
    %sign3A_5 = arith.constant 0 : i32
    %sign3A_6 = arith.cmpi slt, %arg1, %sign3A_5 : i32
    %sign3A_7 = arith.extui %sign3A_6 : i1 to i32
    %sign3A_8 = arith.subi %sign3A_4, %sign3A_7 : i32
    %sign3A_9 = arith.constant 0 : i32
    %sign3A_10 = arith.cmpi sgt, %jit3A, %sign3A_9 : i32
    %sign3A_11 = arith.extui %sign3A_10 : i1 to i32
    %sign3A_12 = arith.constant 0 : i32
    %sign3A_13 = arith.cmpi slt, %jit3A, %sign3A_12 : i32
    %sign3A_14 = arith.extui %sign3A_13 : i1 to i32
    %sign3A_15 = arith.subi %sign3A_11, %sign3A_14 : i32
    %ne3A = arith.cmpi ne, %sign3A_8, %sign3A_15 : i32
    %rem3A = arith.remsi %arg1, %jit3A : i32
    %ne3A_16 = arith.constant 0 : i32
    %ne3A_17 = arith.cmpi ne, %rem3A, %ne3A_16 : i32
    %and3A = arith.andi %ne3A, %ne3A_17 : i1
    %sub3A = arith.constant 1 : i32
    %sub3A_18 = arith.subi %div3A, %sub3A : i32
    %select_n3A = arith.select %and3A, %sub3A_18, %div3A : i32
    %add3A = arith.addi %mul3A_2, %select_n3A : i32
    %jit3A_19 = arith.constant 8 : i32
    %eq3A = arith.constant 0 : i32
    %eq3A_20 = arith.cmpi eq, %jit3A_19, %eq3A : i32
    %jit3A_21 = arith.constant 1 : i32
    %select_n3A_22 = arith.select %eq3A_20, %jit3A_21, %jit3A_19 : i32
    %rem3A_23 = arith.remsi %arg1, %select_n3A_22 : i32
    %ne3A_24 = arith.constant 0 : i32
    %ne3A_25 = arith.cmpi ne, %rem3A_23, %ne3A_24 : i32
    %lt3A_26 = arith.constant 0 : i32
    %lt3A_27 = arith.cmpi slt, %rem3A_23, %lt3A_26 : i32
    %lt3A_28 = arith.constant 0 : i32
    %lt3A_29 = arith.cmpi slt, %select_n3A_22, %lt3A_28 : i32
    %ne3A_30 = arith.xori %lt3A_27, %lt3A_29 : i1
    %and3A_31 = arith.andi %ne3A_30, %ne3A_25 : i1
    %add3A_32 = arith.addi %rem3A_23, %select_n3A_22 : i32
    %select_n3A_33 = arith.select %and3A_31, %add3A_32, %rem3A_23 : i32
    %mul3A_34 = arith.constant 512 : i32
    %mul3A_35 = arith.muli %select_n3A_33, %mul3A_34 : i32
    "tpu.region"() ({
      %run_scoped3A = tpu.sem_alloc : memref<!tpu.dma_semaphore, #tpu.memory_space<semaphore_mem>>
      %dma_start3A_426 = tpu.memref_slice %arg6[%add3A, %mul3A_35] : memref<4x4096xi32, #tpu.memory_space<hbm>> -> memref<1x512xi32, #tpu.memory_space<hbm>>
      %dma_start3A_427 = tpu.memref_squeeze %dma_start3A_426 : memref<1x512xi32, #tpu.memory_space<hbm>> -> memref<512xi32, #tpu.memory_space<hbm>>
      %dma_start3A_428 = tpu.memref_slice %arg6[%add3A, %mul3A_35] : memref<4x4096xi32, #tpu.memory_space<hbm>> -> memref<1x512xi32, #tpu.memory_space<hbm>>
      %dma_start3A_429 = tpu.memref_squeeze %dma_start3A_428 : memref<1x512xi32, #tpu.memory_space<hbm>> -> memref<512xi32, #tpu.memory_space<hbm>>
      tpu.enqueue_dma source(%dma_start3A_429 : memref<512xi32, #tpu.memory_space<hbm>>) target(%arg11 : memref<512xi32, #tpu.memory_space<vmem>>) target_semaphore(%run_scoped3A : memref<!tpu.dma_semaphore, #tpu.memory_space<semaphore_mem>>)
      %dma_wait3A_430 = tpu.memref_slice %arg6[%add3A, %mul3A_35] : memref<4x4096xi32, #tpu.memory_space<hbm>> -> memref<1x512xi32, #tpu.memory_space<hbm>>
      %dma_wait3A_431 = tpu.memref_squeeze %dma_wait3A_430 : memref<1x512xi32, #tpu.memory_space<hbm>> -> memref<512xi32, #tpu.memory_space<hbm>>
      %dma_wait3A_432 = tpu.memref_slice %arg6[%add3A, %mul3A_35] : memref<4x4096xi32, #tpu.memory_space<hbm>> -> memref<1x512xi32, #tpu.memory_space<hbm>>
      %dma_wait3A_433 = tpu.memref_squeeze %dma_wait3A_432 : memref<1x512xi32, #tpu.memory_space<hbm>> -> memref<512xi32, #tpu.memory_space<hbm>>
      tpu.wait_dma2 semaphore(%run_scoped3A : memref<!tpu.dma_semaphore, #tpu.memory_space<semaphore_mem>>) src(%dma_wait3A_433 : memref<512xi32, #tpu.memory_space<hbm>>) dst(%arg11 : memref<512xi32, #tpu.memory_space<vmem>>)
      tpu.yield
    }) : () -> ()
    %mul3A_36 = arith.constant 8192 : i32
    %mul3A_37 = arith.muli %add3A, %mul3A_36 : i32
    %scan3A = arith.constant 0 : i32
    %scan3A_38 = arith.constant 0 : i32
    %scan3A_39 = arith.constant 32 : i32
    %scan3A_40 = arith.addi %scan3A_38, %scan3A_39 : i32
    %scan3A_41 = arith.constant 1 : i32
    %scan3A_42 = scf.for %scan3A_426 = %scan3A_38 to %scan3A_40 step %scan3A_41 iter_args(%scan3A_427 = %scan3A) -> (i32)  : i32 {
      %mul3A_428 = arith.constant 16 : i32
      %mul3A_429 = arith.muli %scan3A_426, %mul3A_428 : i32
      %get3A = arith.index_cast %mul3A_429 : i32 to index
      %get3A_430 = tpu.vector_load %arg11[%get3A] {strides = array<i32>} : memref<512xi32, #tpu.memory_space<vmem>>, vector<16xi32>,
      %add3A_431 = vector.broadcast %mul3A_37 : i32 to vector<16xi32>
      %add3A_432 = arith.addi %get3A_430, %add3A_431 : vector<16xi32>
      %mul3A_433 = arith.constant 16 : i32
      %mul3A_434 = arith.muli %scan3A_426, %mul3A_433 : i32
      %swap3A = arith.index_cast %mul3A_434 : i32 to index
      %swap3A_435 = tpu.vector_load %arg12[%swap3A] {strides = array<i32>} : memref<512xi32, #tpu.memory_space<vmem>>, vector<16xi32>,
      tpu.vector_store %arg12[%swap3A], %add3A_432 {strides = array<i32>} : memref<512xi32, #tpu.memory_space<vmem>>, vector<16xi32>,
      %scan3A_436 = arith.constant 0 : i32
      scf.yield %scan3A_436 : i32
    }
    %scan3A_43 = arith.constant 32 : i32
    %dma_start3A = arith.constant 0 : i32
    %dma_start3A_44 = tpu.memref_slice %arg12[%dma_start3A] : memref<512xi32, #tpu.memory_space<vmem>> -> memref<32xi32, #tpu.memory_space<vmem>>
    %dma_start3A_45 = arith.constant 0 : i32
    %dma_start3A_46 = arith.constant 0 : i32
    %dma_start3A_47 = tpu.memref_slice %arg2[%dma_start3A_45, %dma_start3A_46] : memref<32768x768xf32, #tpu.memory_space<hbm>> -> memref<32768x768xf32, #tpu.memory_space<hbm>>
    tpu.enqueue_indirect_dma source(%dma_start3A_47 : memref<32768x768xf32, #tpu.memory_space<hbm>>) target(%arg13 : memref<32x768xf32, #tpu.memory_space<vmem>>) offsets(%dma_start3A_44 : memref<32xi32, #tpu.memory_space<vmem>>) semaphore(%arg15 : memref<!tpu.dma_semaphore, #tpu.memory_space<semaphore_mem>>)
    %dma_wait3A = arith.constant 0 : i32
    %dma_wait3A_48 = tpu.memref_slice %arg12[%dma_wait3A] : memref<512xi32, #tpu.memory_space<vmem>> -> memref<32xi32, #tpu.memory_space<vmem>>
    %dma_wait3A_49 = arith.constant 0 : i32
    %dma_wait3A_50 = arith.constant 0 : i32
    %dma_wait3A_51 = tpu.memref_slice %arg2[%dma_wait3A_49, %dma_wait3A_50] : memref<32768x768xf32, #tpu.memory_space<hbm>> -> memref<32768x768xf32, #tpu.memory_space<hbm>>
    tpu.wait_indirect_dma semaphore(%arg15 : memref<!tpu.dma_semaphore, #tpu.memory_space<semaphore_mem>>) src(%dma_wait3A_51 : memref<32768x768xf32, #tpu.memory_space<hbm>>) dst(%arg13 : memref<32x768xf32, #tpu.memory_space<vmem>>)
    %dma_start3A_52 = arith.constant 32 : i32
    %dma_start3A_53 = tpu.memref_slice %arg12[%dma_start3A_52] : memref<512xi32, #tpu.memory_space<vmem>> -> memref<32xi32, #tpu.memory_space<vmem>>
    %dma_start3A_54 = arith.constant 0 : i32
    %dma_start3A_55 = arith.constant 0 : i32
    %dma_start3A_56 = tpu.memref_slice %arg2[%dma_start3A_54, %dma_start3A_55] : memref<32768x768xf32, #tpu.memory_space<hbm>> -> memref<32768x768xf32, #tpu.memory_space<hbm>>
    tpu.enqueue_indirect_dma source(%dma_start3A_56 : memref<32768x768xf32, #tpu.memory_space<hbm>>) target(%arg14 : memref<32x768xf32, #tpu.memory_space<vmem>>) offsets(%dma_start3A_53 : memref<32xi32, #tpu.memory_space<vmem>>) semaphore(%arg16 : memref<!tpu.dma_semaphore, #tpu.memory_space<semaphore_mem>>)
    %add3A_57 = arith.constant 0 : i32
    %add3A_58 = arith.addi %mul3A_35, %add3A_57 : i32
    %dma_start3A_59 = arith.constant 0 : i32
    %dma_start3A_60 = tpu.memref_slice %arg5[%add3A, %add3A_58, %dma_start3A_59] : memref<4x4096x768xf32, #tpu.memory_space<hbm>> -> memref<1x32x768xf32, #tpu.memory_space<hbm>>
    %dma_start3A_61 = tpu.memref_squeeze %dma_start3A_60 : memref<1x32x768xf32, #tpu.memory_space<hbm>> -> memref<32x768xf32, #tpu.memory_space<hbm>>
    %dma_start3A_62 = arith.constant 0 : i32
    %dma_start3A_63 = tpu.memref_slice %arg5[%add3A, %add3A_58, %dma_start3A_62] : memref<4x4096x768xf32, #tpu.memory_space<hbm>> -> memref<1x32x768xf32, #tpu.memory_space<hbm>>
    %dma_start3A_64 = tpu.memref_squeeze %dma_start3A_63 : memref<1x32x768xf32, #tpu.memory_space<hbm>> -> memref<32x768xf32, #tpu.memory_space<hbm>>
    tpu.enqueue_dma source(%arg13 : memref<32x768xf32, #tpu.memory_space<vmem>>) target(%dma_start3A_64 : memref<32x768xf32, #tpu.memory_space<hbm>>) target_semaphore(%arg17 : memref<!tpu.dma_semaphore, #tpu.memory_space<semaphore_mem>>)
    %dma_wait3A_65 = arith.constant 32 : i32
    %dma_wait3A_66 = tpu.memref_slice %arg12[%dma_wait3A_65] : memref<512xi32, #tpu.memory_space<vmem>> -> memref<32xi32, #tpu.memory_space<vmem>>
    %dma_wait3A_67 = arith.constant 0 : i32
    %dma_wait3A_68 = arith.constant 0 : i32
    %dma_wait3A_69 = tpu.memref_slice %arg2[%dma_wait3A_67, %dma_wait3A_68] : memref<32768x768xf32, #tpu.memory_space<hbm>> -> memref<32768x768xf32, #tpu.memory_space<hbm>>
    tpu.wait_indirect_dma semaphore(%arg16 : memref<!tpu.dma_semaphore, #tpu.memory_space<semaphore_mem>>) src(%dma_wait3A_69 : memref<32768x768xf32, #tpu.memory_space<hbm>>) dst(%arg14 : memref<32x768xf32, #tpu.memory_space<vmem>>)
    %dma_wait3A_70 = arith.constant 0 : i32
    %dma_wait3A_71 = tpu.memref_slice %arg5[%add3A, %add3A_58, %dma_wait3A_70] : memref<4x4096x768xf32, #tpu.memory_space<hbm>> -> memref<1x32x768xf32, #tpu.memory_space<hbm>>
    %dma_wait3A_72 = tpu.memref_squeeze %dma_wait3A_71 : memref<1x32x768xf32, #tpu.memory_space<hbm>> -> memref<32x768xf32, #tpu.memory_space<hbm>>
    %dma_wait3A_73 = arith.constant 0 : i32
    %dma_wait3A_74 = tpu.memref_slice %arg5[%add3A, %add3A_58, %dma_wait3A_73] : memref<4x4096x768xf32, #tpu.memory_space<hbm>> -> memref<1x32x768xf32, #tpu.memory_space<hbm>>
    %dma_wait3A_75 = tpu.memref_squeeze %dma_wait3A_74 : memref<1x32x768xf32, #tpu.memory_space<hbm>> -> memref<32x768xf32, #tpu.memory_space<hbm>>
    tpu.wait_dma2 semaphore(%arg17 : memref<!tpu.dma_semaphore, #tpu.memory_space<semaphore_mem>>) src(%arg13 : memref<32x768xf32, #tpu.memory_space<vmem>>) dst(%dma_wait3A_75 : memref<32x768xf32, #tpu.memory_space<hbm>>)
    %dma_start3A_76 = arith.constant 64 : i32
    %dma_start3A_77 = tpu.memref_slice %arg12[%dma_start3A_76] : memref<512xi32, #tpu.memory_space<vmem>> -> memref<32xi32, #tpu.memory_space<vmem>>
    %dma_start3A_78 = arith.constant 0 : i32
    %dma_start3A_79 = arith.constant 0 : i32
    %dma_start3A_80 = tpu.memref_slice %arg2[%dma_start3A_78, %dma_start3A_79] : memref<32768x768xf32, #tpu.memory_space<hbm>> -> memref<32768x768xf32, #tpu.memory_space<hbm>>
    tpu.enqueue_indirect_dma source(%dma_start3A_80 : memref<32768x768xf32, #tpu.memory_space<hbm>>) target(%arg13 : memref<32x768xf32, #tpu.memory_space<vmem>>) offsets(%dma_start3A_77 : memref<32xi32, #tpu.memory_space<vmem>>) semaphore(%arg15 : memref<!tpu.dma_semaphore, #tpu.memory_space<semaphore_mem>>)
    %add3A_81 = arith.constant 32 : i32
    %add3A_82 = arith.addi %mul3A_35, %add3A_81 : i32
    %dma_start3A_83 = arith.constant 0 : i32
    %dma_start3A_84 = tpu.memref_slice %arg5[%add3A, %add3A_82, %dma_start3A_83] : memref<4x4096x768xf32, #tpu.memory_space<hbm>> -> memref<1x32x768xf32, #tpu.memory_space<hbm>>
    %dma_start3A_85 = tpu.memref_squeeze %dma_start3A_84 : memref<1x32x768xf32, #tpu.memory_space<hbm>> -> memref<32x768xf32, #tpu.memory_space<hbm>>
    %dma_start3A_86 = arith.constant 0 : i32
    %dma_start3A_87 = tpu.memref_slice %arg5[%add3A, %add3A_82, %dma_start3A_86] : memref<4x4096x768xf32, #tpu.memory_space<hbm>> -> memref<1x32x768xf32, #tpu.memory_space<hbm>>
    %dma_start3A_88 = tpu.memref_squeeze %dma_start3A_87 : memref<1x32x768xf32, #tpu.memory_space<hbm>> -> memref<32x768xf32, #tpu.memory_space<hbm>>
    tpu.enqueue_dma source(%arg14 : memref<32x768xf32, #tpu.memory_space<vmem>>) target(%dma_start3A_88 : memref<32x768xf32, #tpu.memory_space<hbm>>) target_semaphore(%arg18 : memref<!tpu.dma_semaphore, #tpu.memory_space<semaphore_mem>>)
    %dma_wait3A_89 = arith.constant 64 : i32
    %dma_wait3A_90 = tpu.memref_slice %arg12[%dma_wait3A_89] : memref<512xi32, #tpu.memory_space<vmem>> -> memref<32xi32, #tpu.memory_space<vmem>>
    %dma_wait3A_91 = arith.constant 0 : i32
    %dma_wait3A_92 = arith.constant 0 : i32
    %dma_wait3A_93 = tpu.memref_slice %arg2[%dma_wait3A_91, %dma_wait3A_92] : memref<32768x768xf32, #tpu.memory_space<hbm>> -> memref<32768x768xf32, #tpu.memory_space<hbm>>
    tpu.wait_indirect_dma semaphore(%arg15 : memref<!tpu.dma_semaphore, #tpu.memory_space<semaphore_mem>>) src(%dma_wait3A_93 : memref<32768x768xf32, #tpu.memory_space<hbm>>) dst(%arg13 : memref<32x768xf32, #tpu.memory_space<vmem>>)
    %dma_wait3A_94 = arith.constant 0 : i32
    %dma_wait3A_95 = tpu.memref_slice %arg5[%add3A, %add3A_82, %dma_wait3A_94] : memref<4x4096x768xf32, #tpu.memory_space<hbm>> -> memref<1x32x768xf32, #tpu.memory_space<hbm>>
    %dma_wait3A_96 = tpu.memref_squeeze %dma_wait3A_95 : memref<1x32x768xf32, #tpu.memory_space<hbm>> -> memref<32x768xf32, #tpu.memory_space<hbm>>
    %dma_wait3A_97 = arith.constant 0 : i32
    %dma_wait3A_98 = tpu.memref_slice %arg5[%add3A, %add3A_82, %dma_wait3A_97] : memref<4x4096x768xf32, #tpu.memory_space<hbm>> -> memref<1x32x768xf32, #tpu.memory_space<hbm>>
    %dma_wait3A_99 = tpu.memref_squeeze %dma_wait3A_98 : memref<1x32x768xf32, #tpu.memory_space<hbm>> -> memref<32x768xf32, #tpu.memory_space<hbm>>
    tpu.wait_dma2 semaphore(%arg18 : memref<!tpu.dma_semaphore, #tpu.memory_space<semaphore_mem>>) src(%arg14 : memref<32x768xf32, #tpu.memory_space<vmem>>) dst(%dma_wait3A_99 : memref<32x768xf32, #tpu.memory_space<hbm>>)
    %dma_start3A_100 = arith.constant 96 : i32
    %dma_start3A_101 = tpu.memref_slice %arg12[%dma_start3A_100] : memref<512xi32, #tpu.memory_space<vmem>> -> memref<32xi32, #tpu.memory_space<vmem>>
    %dma_start3A_102 = arith.constant 0 : i32
    %dma_start3A_103 = arith.constant 0 : i32
    %dma_start3A_104 = tpu.memref_slice %arg2[%dma_start3A_102, %dma_start3A_103] : memref<32768x768xf32, #tpu.memory_space<hbm>> -> memref<32768x768xf32, #tpu.memory_space<hbm>>
    tpu.enqueue_indirect_dma source(%dma_start3A_104 : memref<32768x768xf32, #tpu.memory_space<hbm>>) target(%arg14 : memref<32x768xf32, #tpu.memory_space<vmem>>) offsets(%dma_start3A_101 : memref<32xi32, #tpu.memory_space<vmem>>) semaphore(%arg16 : memref<!tpu.dma_semaphore, #tpu.memory_space<semaphore_mem>>)
    %add3A_105 = arith.constant 64 : i32
    %add3A_106 = arith.addi %mul3A_35, %add3A_105 : i32
    %dma_start3A_107 = arith.constant 0 : i32
    %dma_start3A_108 = tpu.memref_slice %arg5[%add3A, %add3A_106, %dma_start3A_107] : memref<4x4096x768xf32, #tpu.memory_space<hbm>> -> memref<1x32x768xf32, #tpu.memory_space<hbm>>
    %dma_start3A_109 = tpu.memref_squeeze %dma_start3A_108 : memref<1x32x768xf32, #tpu.memory_space<hbm>> -> memref<32x768xf32, #tpu.memory_space<hbm>>
    %dma_start3A_110 = arith.constant 0 : i32
    %dma_start3A_111 = tpu.memref_slice %arg5[%add3A, %add3A_106, %dma_start3A_110] : memref<4x4096x768xf32, #tpu.memory_space<hbm>> -> memref<1x32x768xf32, #tpu.memory_space<hbm>>
    %dma_start3A_112 = tpu.memref_squeeze %dma_start3A_111 : memref<1x32x768xf32, #tpu.memory_space<hbm>> -> memref<32x768xf32, #tpu.memory_space<hbm>>
    tpu.enqueue_dma source(%arg13 : memref<32x768xf32, #tpu.memory_space<vmem>>) target(%dma_start3A_112 : memref<32x768xf32, #tpu.memory_space<hbm>>) target_semaphore(%arg17 : memref<!tpu.dma_semaphore, #tpu.memory_space<semaphore_mem>>)
    %dma_wait3A_113 = arith.constant 96 : i32
    %dma_wait3A_114 = tpu.memref_slice %arg12[%dma_wait3A_113] : memref<512xi32, #tpu.memory_space<vmem>> -> memref<32xi32, #tpu.memory_space<vmem>>
    %dma_wait3A_115 = arith.constant 0 : i32
    %dma_wait3A_116 = arith.constant 0 : i32
    %dma_wait3A_117 = tpu.memref_slice %arg2[%dma_wait3A_115, %dma_wait3A_116] : memref<32768x768xf32, #tpu.memory_space<hbm>> -> memref<32768x768xf32, #tpu.memory_space<hbm>>
    tpu.wait_indirect_dma semaphore(%arg16 : memref<!tpu.dma_semaphore, #tpu.memory_space<semaphore_mem>>) src(%dma_wait3A_117 : memref<32768x768xf32, #tpu.memory_space<hbm>>) dst(%arg14 : memref<32x768xf32, #tpu.memory_space<vmem>>)
    %dma_wait3A_118 = arith.constant 0 : i32
    %dma_wait3A_119 = tpu.memref_slice %arg5[%add3A, %add3A_106, %dma_wait3A_118] : memref<4x4096x768xf32, #tpu.memory_space<hbm>> -> memref<1x32x768xf32, #tpu.memory_space<hbm>>
    %dma_wait3A_120 = tpu.memref_squeeze %dma_wait3A_119 : memref<1x32x768xf32, #tpu.memory_space<hbm>> -> memref<32x768xf32, #tpu.memory_space<hbm>>
    %dma_wait3A_121 = arith.constant 0 : i32
    %dma_wait3A_122 = tpu.memref_slice %arg5[%add3A, %add3A_106, %dma_wait3A_121] : memref<4x4096x768xf32, #tpu.memory_space<hbm>> -> memref<1x32x768xf32, #tpu.memory_space<hbm>>
    %dma_wait3A_123 = tpu.memref_squeeze %dma_wait3A_122 : memref<1x32x768xf32, #tpu.memory_space<hbm>> -> memref<32x768xf32, #tpu.memory_space<hbm>>
    tpu.wait_dma2 semaphore(%arg17 : memref<!tpu.dma_semaphore, #tpu.memory_space<semaphore_mem>>) src(%arg13 : memref<32x768xf32, #tpu.memory_space<vmem>>) dst(%dma_wait3A_123 : memref<32x768xf32, #tpu.memory_space<hbm>>)
    %dma_start3A_124 = arith.constant 128 : i32
    %dma_start3A_125 = tpu.memref_slice %arg12[%dma_start3A_124] : memref<512xi32, #tpu.memory_space<vmem>> -> memref<32xi32, #tpu.memory_space<vmem>>
    %dma_start3A_126 = arith.constant 0 : i32
    %dma_start3A_127 = arith.constant 0 : i32
    %dma_start3A_128 = tpu.memref_slice %arg2[%dma_start3A_126, %dma_start3A_127] : memref<32768x768xf32, #tpu.memory_space<hbm>> -> memref<32768x768xf32, #tpu.memory_space<hbm>>
    tpu.enqueue_indirect_dma source(%dma_start3A_128 : memref<32768x768xf32, #tpu.memory_space<hbm>>) target(%arg13 : memref<32x768xf32, #tpu.memory_space<vmem>>) offsets(%dma_start3A_125 : memref<32xi32, #tpu.memory_space<vmem>>) semaphore(%arg15 : memref<!tpu.dma_semaphore, #tpu.memory_space<semaphore_mem>>)
    %add3A_129 = arith.constant 96 : i32
    %add3A_130 = arith.addi %mul3A_35, %add3A_129 : i32
    %dma_start3A_131 = arith.constant 0 : i32
    %dma_start3A_132 = tpu.memref_slice %arg5[%add3A, %add3A_130, %dma_start3A_131] : memref<4x4096x768xf32, #tpu.memory_space<hbm>> -> memref<1x32x768xf32, #tpu.memory_space<hbm>>
    %dma_start3A_133 = tpu.memref_squeeze %dma_start3A_132 : memref<1x32x768xf32, #tpu.memory_space<hbm>> -> memref<32x768xf32, #tpu.memory_space<hbm>>
    %dma_start3A_134 = arith.constant 0 : i32
    %dma_start3A_135 = tpu.memref_slice %arg5[%add3A, %add3A_130, %dma_start3A_134] : memref<4x4096x768xf32, #tpu.memory_space<hbm>> -> memref<1x32x768xf32, #tpu.memory_space<hbm>>
    %dma_start3A_136 = tpu.memref_squeeze %dma_start3A_135 : memref<1x32x768xf32, #tpu.memory_space<hbm>> -> memref<32x768xf32, #tpu.memory_space<hbm>>
    tpu.enqueue_dma source(%arg14 : memref<32x768xf32, #tpu.memory_space<vmem>>) target(%dma_start3A_136 : memref<32x768xf32, #tpu.memory_space<hbm>>) target_semaphore(%arg18 : memref<!tpu.dma_semaphore, #tpu.memory_space<semaphore_mem>>)
    %dma_wait3A_137 = arith.constant 128 : i32
    %dma_wait3A_138 = tpu.memref_slice %arg12[%dma_wait3A_137] : memref<512xi32, #tpu.memory_space<vmem>> -> memref<32xi32, #tpu.memory_space<vmem>>
    %dma_wait3A_139 = arith.constant 0 : i32
    %dma_wait3A_140 = arith.constant 0 : i32
    %dma_wait3A_141 = tpu.memref_slice %arg2[%dma_wait3A_139, %dma_wait3A_140] : memref<32768x768xf32, #tpu.memory_space<hbm>> -> memref<32768x768xf32, #tpu.memory_space<hbm>>
    tpu.wait_indirect_dma semaphore(%arg15 : memref<!tpu.dma_semaphore, #tpu.memory_space<semaphore_mem>>) src(%dma_wait3A_141 : memref<32768x768xf32, #tpu.memory_space<hbm>>) dst(%arg13 : memref<32x768xf32, #tpu.memory_space<vmem>>)
    %dma_wait3A_142 = arith.constant 0 : i32
    %dma_wait3A_143 = tpu.memref_slice %arg5[%add3A, %add3A_130, %dma_wait3A_142] : memref<4x4096x768xf32, #tpu.memory_space<hbm>> -> memref<1x32x768xf32, #tpu.memory_space<hbm>>
    %dma_wait3A_144 = tpu.memref_squeeze %dma_wait3A_143 : memref<1x32x768xf32, #tpu.memory_space<hbm>> -> memref<32x768xf32, #tpu.memory_space<hbm>>
    %dma_wait3A_145 = arith.constant 0 : i32
    %dma_wait3A_146 = tpu.memref_slice %arg5[%add3A, %add3A_130, %dma_wait3A_145] : memref<4x4096x768xf32, #tpu.memory_space<hbm>> -> memref<1x32x768xf32, #tpu.memory_space<hbm>>
    %dma_wait3A_147 = tpu.memref_squeeze %dma_wait3A_146 : memref<1x32x768xf32, #tpu.memory_space<hbm>> -> memref<32x768xf32, #tpu.memory_space<hbm>>
    tpu.wait_dma2 semaphore(%arg18 : memref<!tpu.dma_semaphore, #tpu.memory_space<semaphore_mem>>) src(%arg14 : memref<32x768xf32, #tpu.memory_space<vmem>>) dst(%dma_wait3A_147 : memref<32x768xf32, #tpu.memory_space<hbm>>)
    %dma_start3A_148 = arith.constant 160 : i32
    %dma_start3A_149 = tpu.memref_slice %arg12[%dma_start3A_148] : memref<512xi32, #tpu.memory_space<vmem>> -> memref<32xi32, #tpu.memory_space<vmem>>
    %dma_start3A_150 = arith.constant 0 : i32
    %dma_start3A_151 = arith.constant 0 : i32
    %dma_start3A_152 = tpu.memref_slice %arg2[%dma_start3A_150, %dma_start3A_151] : memref<32768x768xf32, #tpu.memory_space<hbm>> -> memref<32768x768xf32, #tpu.memory_space<hbm>>
    tpu.enqueue_indirect_dma source(%dma_start3A_152 : memref<32768x768xf32, #tpu.memory_space<hbm>>) target(%arg14 : memref<32x768xf32, #tpu.memory_space<vmem>>) offsets(%dma_start3A_149 : memref<32xi32, #tpu.memory_space<vmem>>) semaphore(%arg16 : memref<!tpu.dma_semaphore, #tpu.memory_space<semaphore_mem>>)
    %add3A_153 = arith.constant 128 : i32
    %add3A_154 = arith.addi %mul3A_35, %add3A_153 : i32
    %dma_start3A_155 = arith.constant 0 : i32
    %dma_start3A_156 = tpu.memref_slice %arg5[%add3A, %add3A_154, %dma_start3A_155] : memref<4x4096x768xf32, #tpu.memory_space<hbm>> -> memref<1x32x768xf32, #tpu.memory_space<hbm>>
    %dma_start3A_157 = tpu.memref_squeeze %dma_start3A_156 : memref<1x32x768xf32, #tpu.memory_space<hbm>> -> memref<32x768xf32, #tpu.memory_space<hbm>>
    %dma_start3A_158 = arith.constant 0 : i32
    %dma_start3A_159 = tpu.memref_slice %arg5[%add3A, %add3A_154, %dma_start3A_158] : memref<4x4096x768xf32, #tpu.memory_space<hbm>> -> memref<1x32x768xf32, #tpu.memory_space<hbm>>
    %dma_start3A_160 = tpu.memref_squeeze %dma_start3A_159 : memref<1x32x768xf32, #tpu.memory_space<hbm>> -> memref<32x768xf32, #tpu.memory_space<hbm>>
    tpu.enqueue_dma source(%arg13 : memref<32x768xf32, #tpu.memory_space<vmem>>) target(%dma_start3A_160 : memref<32x768xf32, #tpu.memory_space<hbm>>) target_semaphore(%arg17 : memref<!tpu.dma_semaphore, #tpu.memory_space<semaphore_mem>>)
    %dma_wait3A_161 = arith.constant 160 : i32
    %dma_wait3A_162 = tpu.memref_slice %arg12[%dma_wait3A_161] : memref<512xi32, #tpu.memory_space<vmem>> -> memref<32xi32, #tpu.memory_space<vmem>>
    %dma_wait3A_163 = arith.constant 0 : i32
    %dma_wait3A_164 = arith.constant 0 : i32
    %dma_wait3A_165 = tpu.memref_slice %arg2[%dma_wait3A_163, %dma_wait3A_164] : memref<32768x768xf32, #tpu.memory_space<hbm>> -> memref<32768x768xf32, #tpu.memory_space<hbm>>
    tpu.wait_indirect_dma semaphore(%arg16 : memref<!tpu.dma_semaphore, #tpu.memory_space<semaphore_mem>>) src(%dma_wait3A_165 : memref<32768x768xf32, #tpu.memory_space<hbm>>) dst(%arg14 : memref<32x768xf32, #tpu.memory_space<vmem>>)
    %dma_wait3A_166 = arith.constant 0 : i32
    %dma_wait3A_167 = tpu.memref_slice %arg5[%add3A, %add3A_154, %dma_wait3A_166] : memref<4x4096x768xf32, #tpu.memory_space<hbm>> -> memref<1x32x768xf32, #tpu.memory_space<hbm>>
    %dma_wait3A_168 = tpu.memref_squeeze %dma_wait3A_167 : memref<1x32x768xf32, #tpu.memory_space<hbm>> -> memref<32x768xf32, #tpu.memory_space<hbm>>
    %dma_wait3A_169 = arith.constant 0 : i32
    %dma_wait3A_170 = tpu.memref_slice %arg5[%add3A, %add3A_154, %dma_wait3A_169] : memref<4x4096x768xf32, #tpu.memory_space<hbm>> -> memref<1x32x768xf32, #tpu.memory_space<hbm>>
    %dma_wait3A_171 = tpu.memref_squeeze %dma_wait3A_170 : memref<1x32x768xf32, #tpu.memory_space<hbm>> -> memref<32x768xf32, #tpu.memory_space<hbm>>
    tpu.wait_dma2 semaphore(%arg17 : memref<!tpu.dma_semaphore, #tpu.memory_space<semaphore_mem>>) src(%arg13 : memref<32x768xf32, #tpu.memory_space<vmem>>) dst(%dma_wait3A_171 : memref<32x768xf32, #tpu.memory_space<hbm>>)
    %dma_start3A_172 = arith.constant 192 : i32
    %dma_start3A_173 = tpu.memref_slice %arg12[%dma_start3A_172] : memref<512xi32, #tpu.memory_space<vmem>> -> memref<32xi32, #tpu.memory_space<vmem>>
    %dma_start3A_174 = arith.constant 0 : i32
    %dma_start3A_175 = arith.constant 0 : i32
    %dma_start3A_176 = tpu.memref_slice %arg2[%dma_start3A_174, %dma_start3A_175] : memref<32768x768xf32, #tpu.memory_space<hbm>> -> memref<32768x768xf32, #tpu.memory_space<hbm>>
    tpu.enqueue_indirect_dma source(%dma_start3A_176 : memref<32768x768xf32, #tpu.memory_space<hbm>>) target(%arg13 : memref<32x768xf32, #tpu.memory_space<vmem>>) offsets(%dma_start3A_173 : memref<32xi32, #tpu.memory_space<vmem>>) semaphore(%arg15 : memref<!tpu.dma_semaphore, #tpu.memory_space<semaphore_mem>>)
    %add3A_177 = arith.constant 160 : i32
    %add3A_178 = arith.addi %mul3A_35, %add3A_177 : i32
    %dma_start3A_179 = arith.constant 0 : i32
    %dma_start3A_180 = tpu.memref_slice %arg5[%add3A, %add3A_178, %dma_start3A_179] : memref<4x4096x768xf32, #tpu.memory_space<hbm>> -> memref<1x32x768xf32, #tpu.memory_space<hbm>>
    %dma_start3A_181 = tpu.memref_squeeze %dma_start3A_180 : memref<1x32x768xf32, #tpu.memory_space<hbm>> -> memref<32x768xf32, #tpu.memory_space<hbm>>
    %dma_start3A_182 = arith.constant 0 : i32
    %dma_start3A_183 = tpu.memref_slice %arg5[%add3A, %add3A_178, %dma_start3A_182] : memref<4x4096x768xf32, #tpu.memory_space<hbm>> -> memref<1x32x768xf32, #tpu.memory_space<hbm>>
    %dma_start3A_184 = tpu.memref_squeeze %dma_start3A_183 : memref<1x32x768xf32, #tpu.memory_space<hbm>> -> memref<32x768xf32, #tpu.memory_space<hbm>>
    tpu.enqueue_dma source(%arg14 : memref<32x768xf32, #tpu.memory_space<vmem>>) target(%dma_start3A_184 : memref<32x768xf32, #tpu.memory_space<hbm>>) target_semaphore(%arg18 : memref<!tpu.dma_semaphore, #tpu.memory_space<semaphore_mem>>)
    %dma_wait3A_185 = arith.constant 192 : i32
    %dma_wait3A_186 = tpu.memref_slice %arg12[%dma_wait3A_185] : memref<512xi32, #tpu.memory_space<vmem>> -> memref<32xi32, #tpu.memory_space<vmem>>
    %dma_wait3A_187 = arith.constant 0 : i32
    %dma_wait3A_188 = arith.constant 0 : i32
    %dma_wait3A_189 = tpu.memref_slice %arg2[%dma_wait3A_187, %dma_wait3A_188] : memref<32768x768xf32, #tpu.memory_space<hbm>> -> memref<32768x768xf32, #tpu.memory_space<hbm>>
    tpu.wait_indirect_dma semaphore(%arg15 : memref<!tpu.dma_semaphore, #tpu.memory_space<semaphore_mem>>) src(%dma_wait3A_189 : memref<32768x768xf32, #tpu.memory_space<hbm>>) dst(%arg13 : memref<32x768xf32, #tpu.memory_space<vmem>>)
    %dma_wait3A_190 = arith.constant 0 : i32
    %dma_wait3A_191 = tpu.memref_slice %arg5[%add3A, %add3A_178, %dma_wait3A_190] : memref<4x4096x768xf32, #tpu.memory_space<hbm>> -> memref<1x32x768xf32, #tpu.memory_space<hbm>>
    %dma_wait3A_192 = tpu.memref_squeeze %dma_wait3A_191 : memref<1x32x768xf32, #tpu.memory_space<hbm>> -> memref<32x768xf32, #tpu.memory_space<hbm>>
    %dma_wait3A_193 = arith.constant 0 : i32
    %dma_wait3A_194 = tpu.memref_slice %arg5[%add3A, %add3A_178, %dma_wait3A_193] : memref<4x4096x768xf32, #tpu.memory_space<hbm>> -> memref<1x32x768xf32, #tpu.memory_space<hbm>>
    %dma_wait3A_195 = tpu.memref_squeeze %dma_wait3A_194 : memref<1x32x768xf32, #tpu.memory_space<hbm>> -> memref<32x768xf32, #tpu.memory_space<hbm>>
    tpu.wait_dma2 semaphore(%arg18 : memref<!tpu.dma_semaphore, #tpu.memory_space<semaphore_mem>>) src(%arg14 : memref<32x768xf32, #tpu.memory_space<vmem>>) dst(%dma_wait3A_195 : memref<32x768xf32, #tpu.memory_space<hbm>>)
    %dma_start3A_196 = arith.constant 224 : i32
    %dma_start3A_197 = tpu.memref_slice %arg12[%dma_start3A_196] : memref<512xi32, #tpu.memory_space<vmem>> -> memref<32xi32, #tpu.memory_space<vmem>>
    %dma_start3A_198 = arith.constant 0 : i32
    %dma_start3A_199 = arith.constant 0 : i32
    %dma_start3A_200 = tpu.memref_slice %arg2[%dma_start3A_198, %dma_start3A_199] : memref<32768x768xf32, #tpu.memory_space<hbm>> -> memref<32768x768xf32, #tpu.memory_space<hbm>>
    tpu.enqueue_indirect_dma source(%dma_start3A_200 : memref<32768x768xf32, #tpu.memory_space<hbm>>) target(%arg14 : memref<32x768xf32, #tpu.memory_space<vmem>>) offsets(%dma_start3A_197 : memref<32xi32, #tpu.memory_space<vmem>>) semaphore(%arg16 : memref<!tpu.dma_semaphore, #tpu.memory_space<semaphore_mem>>)
    %add3A_201 = arith.constant 192 : i32
    %add3A_202 = arith.addi %mul3A_35, %add3A_201 : i32
    %dma_start3A_203 = arith.constant 0 : i32
    %dma_start3A_204 = tpu.memref_slice %arg5[%add3A, %add3A_202, %dma_start3A_203] : memref<4x4096x768xf32, #tpu.memory_space<hbm>> -> memref<1x32x768xf32, #tpu.memory_space<hbm>>
    %dma_start3A_205 = tpu.memref_squeeze %dma_start3A_204 : memref<1x32x768xf32, #tpu.memory_space<hbm>> -> memref<32x768xf32, #tpu.memory_space<hbm>>
    %dma_start3A_206 = arith.constant 0 : i32
    %dma_start3A_207 = tpu.memref_slice %arg5[%add3A, %add3A_202, %dma_start3A_206] : memref<4x4096x768xf32, #tpu.memory_space<hbm>> -> memref<1x32x768xf32, #tpu.memory_space<hbm>>
    %dma_start3A_208 = tpu.memref_squeeze %dma_start3A_207 : memref<1x32x768xf32, #tpu.memory_space<hbm>> -> memref<32x768xf32, #tpu.memory_space<hbm>>
    tpu.enqueue_dma source(%arg13 : memref<32x768xf32, #tpu.memory_space<vmem>>) target(%dma_start3A_208 : memref<32x768xf32, #tpu.memory_space<hbm>>) target_semaphore(%arg17 : memref<!tpu.dma_semaphore, #tpu.memory_space<semaphore_mem>>)
    %dma_wait3A_209 = arith.constant 224 : i32
    %dma_wait3A_210 = tpu.memref_slice %arg12[%dma_wait3A_209] : memref<512xi32, #tpu.memory_space<vmem>> -> memref<32xi32, #tpu.memory_space<vmem>>
    %dma_wait3A_211 = arith.constant 0 : i32
    %dma_wait3A_212 = arith.constant 0 : i32
    %dma_wait3A_213 = tpu.memref_slice %arg2[%dma_wait3A_211, %dma_wait3A_212] : memref<32768x768xf32, #tpu.memory_space<hbm>> -> memref<32768x768xf32, #tpu.memory_space<hbm>>
    tpu.wait_indirect_dma semaphore(%arg16 : memref<!tpu.dma_semaphore, #tpu.memory_space<semaphore_mem>>) src(%dma_wait3A_213 : memref<32768x768xf32, #tpu.memory_space<hbm>>) dst(%arg14 : memref<32x768xf32, #tpu.memory_space<vmem>>)
    %dma_wait3A_214 = arith.constant 0 : i32
    %dma_wait3A_215 = tpu.memref_slice %arg5[%add3A, %add3A_202, %dma_wait3A_214] : memref<4x4096x768xf32, #tpu.memory_space<hbm>> -> memref<1x32x768xf32, #tpu.memory_space<hbm>>
    %dma_wait3A_216 = tpu.memref_squeeze %dma_wait3A_215 : memref<1x32x768xf32, #tpu.memory_space<hbm>> -> memref<32x768xf32, #tpu.memory_space<hbm>>
    %dma_wait3A_217 = arith.constant 0 : i32
    %dma_wait3A_218 = tpu.memref_slice %arg5[%add3A, %add3A_202, %dma_wait3A_217] : memref<4x4096x768xf32, #tpu.memory_space<hbm>> -> memref<1x32x768xf32, #tpu.memory_space<hbm>>
    %dma_wait3A_219 = tpu.memref_squeeze %dma_wait3A_218 : memref<1x32x768xf32, #tpu.memory_space<hbm>> -> memref<32x768xf32, #tpu.memory_space<hbm>>
    tpu.wait_dma2 semaphore(%arg17 : memref<!tpu.dma_semaphore, #tpu.memory_space<semaphore_mem>>) src(%arg13 : memref<32x768xf32, #tpu.memory_space<vmem>>) dst(%dma_wait3A_219 : memref<32x768xf32, #tpu.memory_space<hbm>>)
    %dma_start3A_220 = arith.constant 256 : i32
    %dma_start3A_221 = tpu.memref_slice %arg12[%dma_start3A_220] : memref<512xi32, #tpu.memory_space<vmem>> -> memref<32xi32, #tpu.memory_space<vmem>>
    %dma_start3A_222 = arith.constant 0 : i32
    %dma_start3A_223 = arith.constant 0 : i32
    %dma_start3A_224 = tpu.memref_slice %arg2[%dma_start3A_222, %dma_start3A_223] : memref<32768x768xf32, #tpu.memory_space<hbm>> -> memref<32768x768xf32, #tpu.memory_space<hbm>>
    tpu.enqueue_indirect_dma source(%dma_start3A_224 : memref<32768x768xf32, #tpu.memory_space<hbm>>) target(%arg13 : memref<32x768xf32, #tpu.memory_space<vmem>>) offsets(%dma_start3A_221 : memref<32xi32, #tpu.memory_space<vmem>>) semaphore(%arg15 : memref<!tpu.dma_semaphore, #tpu.memory_space<semaphore_mem>>)
    %add3A_225 = arith.constant 224 : i32
    %add3A_226 = arith.addi %mul3A_35, %add3A_225 : i32
    %dma_start3A_227 = arith.constant 0 : i32
    %dma_start3A_228 = tpu.memref_slice %arg5[%add3A, %add3A_226, %dma_start3A_227] : memref<4x4096x768xf32, #tpu.memory_space<hbm>> -> memref<1x32x768xf32, #tpu.memory_space<hbm>>
    %dma_start3A_229 = tpu.memref_squeeze %dma_start3A_228 : memref<1x32x768xf32, #tpu.memory_space<hbm>> -> memref<32x768xf32, #tpu.memory_space<hbm>>
    %dma_start3A_230 = arith.constant 0 : i32
    %dma_start3A_231 = tpu.memref_slice %arg5[%add3A, %add3A_226, %dma_start3A_230] : memref<4x4096x768xf32, #tpu.memory_space<hbm>> -> memref<1x32x768xf32, #tpu.memory_space<hbm>>
    %dma_start3A_232 = tpu.memref_squeeze %dma_start3A_231 : memref<1x32x768xf32, #tpu.memory_space<hbm>> -> memref<32x768xf32, #tpu.memory_space<hbm>>
    tpu.enqueue_dma source(%arg14 : memref<32x768xf32, #tpu.memory_space<vmem>>) target(%dma_start3A_232 : memref<32x768xf32, #tpu.memory_space<hbm>>) target_semaphore(%arg18 : memref<!tpu.dma_semaphore, #tpu.memory_space<semaphore_mem>>)
    %dma_wait3A_233 = arith.constant 256 : i32
    %dma_wait3A_234 = tpu.memref_slice %arg12[%dma_wait3A_233] : memref<512xi32, #tpu.memory_space<vmem>> -> memref<32xi32, #tpu.memory_space<vmem>>
    %dma_wait3A_235 = arith.constant 0 : i32
    %dma_wait3A_236 = arith.constant 0 : i32
    %dma_wait3A_237 = tpu.memref_slice %arg2[%dma_wait3A_235, %dma_wait3A_236] : memref<32768x768xf32, #tpu.memory_space<hbm>> -> memref<32768x768xf32, #tpu.memory_space<hbm>>
    tpu.wait_indirect_dma semaphore(%arg15 : memref<!tpu.dma_semaphore, #tpu.memory_space<semaphore_mem>>) src(%dma_wait3A_237 : memref<32768x768xf32, #tpu.memory_space<hbm>>) dst(%arg13 : memref<32x768xf32, #tpu.memory_space<vmem>>)
    %dma_wait3A_238 = arith.constant 0 : i32
    %dma_wait3A_239 = tpu.memref_slice %arg5[%add3A, %add3A_226, %dma_wait3A_238] : memref<4x4096x768xf32, #tpu.memory_space<hbm>> -> memref<1x32x768xf32, #tpu.memory_space<hbm>>
    %dma_wait3A_240 = tpu.memref_squeeze %dma_wait3A_239 : memref<1x32x768xf32, #tpu.memory_space<hbm>> -> memref<32x768xf32, #tpu.memory_space<hbm>>
    %dma_wait3A_241 = arith.constant 0 : i32
    %dma_wait3A_242 = tpu.memref_slice %arg5[%add3A, %add3A_226, %dma_wait3A_241] : memref<4x4096x768xf32, #tpu.memory_space<hbm>> -> memref<1x32x768xf32, #tpu.memory_space<hbm>>
    %dma_wait3A_243 = tpu.memref_squeeze %dma_wait3A_242 : memref<1x32x768xf32, #tpu.memory_space<hbm>> -> memref<32x768xf32, #tpu.memory_space<hbm>>
    tpu.wait_dma2 semaphore(%arg18 : memref<!tpu.dma_semaphore, #tpu.memory_space<semaphore_mem>>) src(%arg14 : memref<32x768xf32, #tpu.memory_space<vmem>>) dst(%dma_wait3A_243 : memref<32x768xf32, #tpu.memory_space<hbm>>)
    %dma_start3A_244 = arith.constant 288 : i32
    %dma_start3A_245 = tpu.memref_slice %arg12[%dma_start3A_244] : memref<512xi32, #tpu.memory_space<vmem>> -> memref<32xi32, #tpu.memory_space<vmem>>
    %dma_start3A_246 = arith.constant 0 : i32
    %dma_start3A_247 = arith.constant 0 : i32
    %dma_start3A_248 = tpu.memref_slice %arg2[%dma_start3A_246, %dma_start3A_247] : memref<32768x768xf32, #tpu.memory_space<hbm>> -> memref<32768x768xf32, #tpu.memory_space<hbm>>
    tpu.enqueue_indirect_dma source(%dma_start3A_248 : memref<32768x768xf32, #tpu.memory_space<hbm>>) target(%arg14 : memref<32x768xf32, #tpu.memory_space<vmem>>) offsets(%dma_start3A_245 : memref<32xi32, #tpu.memory_space<vmem>>) semaphore(%arg16 : memref<!tpu.dma_semaphore, #tpu.memory_space<semaphore_mem>>)
    %add3A_249 = arith.constant 256 : i32
    %add3A_250 = arith.addi %mul3A_35, %add3A_249 : i32
    %dma_start3A_251 = arith.constant 0 : i32
    %dma_start3A_252 = tpu.memref_slice %arg5[%add3A, %add3A_250, %dma_start3A_251] : memref<4x4096x768xf32, #tpu.memory_space<hbm>> -> memref<1x32x768xf32, #tpu.memory_space<hbm>>
    %dma_start3A_253 = tpu.memref_squeeze %dma_start3A_252 : memref<1x32x768xf32, #tpu.memory_space<hbm>> -> memref<32x768xf32, #tpu.memory_space<hbm>>
    %dma_start3A_254 = arith.constant 0 : i32
    %dma_start3A_255 = tpu.memref_slice %arg5[%add3A, %add3A_250, %dma_start3A_254] : memref<4x4096x768xf32, #tpu.memory_space<hbm>> -> memref<1x32x768xf32, #tpu.memory_space<hbm>>
    %dma_start3A_256 = tpu.memref_squeeze %dma_start3A_255 : memref<1x32x768xf32, #tpu.memory_space<hbm>> -> memref<32x768xf32, #tpu.memory_space<hbm>>
    tpu.enqueue_dma source(%arg13 : memref<32x768xf32, #tpu.memory_space<vmem>>) target(%dma_start3A_256 : memref<32x768xf32, #tpu.memory_space<hbm>>) target_semaphore(%arg17 : memref<!tpu.dma_semaphore, #tpu.memory_space<semaphore_mem>>)
    %dma_wait3A_257 = arith.constant 288 : i32
    %dma_wait3A_258 = tpu.memref_slice %arg12[%dma_wait3A_257] : memref<512xi32, #tpu.memory_space<vmem>> -> memref<32xi32, #tpu.memory_space<vmem>>
    %dma_wait3A_259 = arith.constant 0 : i32
    %dma_wait3A_260 = arith.constant 0 : i32
    %dma_wait3A_261 = tpu.memref_slice %arg2[%dma_wait3A_259, %dma_wait3A_260] : memref<32768x768xf32, #tpu.memory_space<hbm>> -> memref<32768x768xf32, #tpu.memory_space<hbm>>
    tpu.wait_indirect_dma semaphore(%arg16 : memref<!tpu.dma_semaphore, #tpu.memory_space<semaphore_mem>>) src(%dma_wait3A_261 : memref<32768x768xf32, #tpu.memory_space<hbm>>) dst(%arg14 : memref<32x768xf32, #tpu.memory_space<vmem>>)
    %dma_wait3A_262 = arith.constant 0 : i32
    %dma_wait3A_263 = tpu.memref_slice %arg5[%add3A, %add3A_250, %dma_wait3A_262] : memref<4x4096x768xf32, #tpu.memory_space<hbm>> -> memref<1x32x768xf32, #tpu.memory_space<hbm>>
    %dma_wait3A_264 = tpu.memref_squeeze %dma_wait3A_263 : memref<1x32x768xf32, #tpu.memory_space<hbm>> -> memref<32x768xf32, #tpu.memory_space<hbm>>
    %dma_wait3A_265 = arith.constant 0 : i32
    %dma_wait3A_266 = tpu.memref_slice %arg5[%add3A, %add3A_250, %dma_wait3A_265] : memref<4x4096x768xf32, #tpu.memory_space<hbm>> -> memref<1x32x768xf32, #tpu.memory_space<hbm>>
    %dma_wait3A_267 = tpu.memref_squeeze %dma_wait3A_266 : memref<1x32x768xf32, #tpu.memory_space<hbm>> -> memref<32x768xf32, #tpu.memory_space<hbm>>
    tpu.wait_dma2 semaphore(%arg17 : memref<!tpu.dma_semaphore, #tpu.memory_space<semaphore_mem>>) src(%arg13 : memref<32x768xf32, #tpu.memory_space<vmem>>) dst(%dma_wait3A_267 : memref<32x768xf32, #tpu.memory_space<hbm>>)
    %dma_start3A_268 = arith.constant 320 : i32
    %dma_start3A_269 = tpu.memref_slice %arg12[%dma_start3A_268] : memref<512xi32, #tpu.memory_space<vmem>> -> memref<32xi32, #tpu.memory_space<vmem>>
    %dma_start3A_270 = arith.constant 0 : i32
    %dma_start3A_271 = arith.constant 0 : i32
    %dma_start3A_272 = tpu.memref_slice %arg2[%dma_start3A_270, %dma_start3A_271] : memref<32768x768xf32, #tpu.memory_space<hbm>> -> memref<32768x768xf32, #tpu.memory_space<hbm>>
    tpu.enqueue_indirect_dma source(%dma_start3A_272 : memref<32768x768xf32, #tpu.memory_space<hbm>>) target(%arg13 : memref<32x768xf32, #tpu.memory_space<vmem>>) offsets(%dma_start3A_269 : memref<32xi32, #tpu.memory_space<vmem>>) semaphore(%arg15 : memref<!tpu.dma_semaphore, #tpu.memory_space<semaphore_mem>>)
    %add3A_273 = arith.constant 288 : i32
    %add3A_274 = arith.addi %mul3A_35, %add3A_273 : i32
    %dma_start3A_275 = arith.constant 0 : i32
    %dma_start3A_276 = tpu.memref_slice %arg5[%add3A, %add3A_274, %dma_start3A_275] : memref<4x4096x768xf32, #tpu.memory_space<hbm>> -> memref<1x32x768xf32, #tpu.memory_space<hbm>>
    %dma_start3A_277 = tpu.memref_squeeze %dma_start3A_276 : memref<1x32x768xf32, #tpu.memory_space<hbm>> -> memref<32x768xf32, #tpu.memory_space<hbm>>
    %dma_start3A_278 = arith.constant 0 : i32
    %dma_start3A_279 = tpu.memref_slice %arg5[%add3A, %add3A_274, %dma_start3A_278] : memref<4x4096x768xf32, #tpu.memory_space<hbm>> -> memref<1x32x768xf32, #tpu.memory_space<hbm>>
    %dma_start3A_280 = tpu.memref_squeeze %dma_start3A_279 : memref<1x32x768xf32, #tpu.memory_space<hbm>> -> memref<32x768xf32, #tpu.memory_space<hbm>>
    tpu.enqueue_dma source(%arg14 : memref<32x768xf32, #tpu.memory_space<vmem>>) target(%dma_start3A_280 : memref<32x768xf32, #tpu.memory_space<hbm>>) target_semaphore(%arg18 : memref<!tpu.dma_semaphore, #tpu.memory_space<semaphore_mem>>)
    %dma_wait3A_281 = arith.constant 320 : i32
    %dma_wait3A_282 = tpu.memref_slice %arg12[%dma_wait3A_281] : memref<512xi32, #tpu.memory_space<vmem>> -> memref<32xi32, #tpu.memory_space<vmem>>
    %dma_wait3A_283 = arith.constant 0 : i32
    %dma_wait3A_284 = arith.constant 0 : i32
    %dma_wait3A_285 = tpu.memref_slice %arg2[%dma_wait3A_283, %dma_wait3A_284] : memref<32768x768xf32, #tpu.memory_space<hbm>> -> memref<32768x768xf32, #tpu.memory_space<hbm>>
    tpu.wait_indirect_dma semaphore(%arg15 : memref<!tpu.dma_semaphore, #tpu.memory_space<semaphore_mem>>) src(%dma_wait3A_285 : memref<32768x768xf32, #tpu.memory_space<hbm>>) dst(%arg13 : memref<32x768xf32, #tpu.memory_space<vmem>>)
    %dma_wait3A_286 = arith.constant 0 : i32
    %dma_wait3A_287 = tpu.memref_slice %arg5[%add3A, %add3A_274, %dma_wait3A_286] : memref<4x4096x768xf32, #tpu.memory_space<hbm>> -> memref<1x32x768xf32, #tpu.memory_space<hbm>>
    %dma_wait3A_288 = tpu.memref_squeeze %dma_wait3A_287 : memref<1x32x768xf32, #tpu.memory_space<hbm>> -> memref<32x768xf32, #tpu.memory_space<hbm>>
    %dma_wait3A_289 = arith.constant 0 : i32
    %dma_wait3A_290 = tpu.memref_slice %arg5[%add3A, %add3A_274, %dma_wait3A_289] : memref<4x4096x768xf32, #tpu.memory_space<hbm>> -> memref<1x32x768xf32, #tpu.memory_space<hbm>>
    %dma_wait3A_291 = tpu.memref_squeeze %dma_wait3A_290 : memref<1x32x768xf32, #tpu.memory_space<hbm>> -> memref<32x768xf32, #tpu.memory_space<hbm>>
    tpu.wait_dma2 semaphore(%arg18 : memref<!tpu.dma_semaphore, #tpu.memory_space<semaphore_mem>>) src(%arg14 : memref<32x768xf32, #tpu.memory_space<vmem>>) dst(%dma_wait3A_291 : memref<32x768xf32, #tpu.memory_space<hbm>>)
    %dma_start3A_292 = arith.constant 352 : i32
    %dma_start3A_293 = tpu.memref_slice %arg12[%dma_start3A_292] : memref<512xi32, #tpu.memory_space<vmem>> -> memref<32xi32, #tpu.memory_space<vmem>>
    %dma_start3A_294 = arith.constant 0 : i32
    %dma_start3A_295 = arith.constant 0 : i32
    %dma_start3A_296 = tpu.memref_slice %arg2[%dma_start3A_294, %dma_start3A_295] : memref<32768x768xf32, #tpu.memory_space<hbm>> -> memref<32768x768xf32, #tpu.memory_space<hbm>>
    tpu.enqueue_indirect_dma source(%dma_start3A_296 : memref<32768x768xf32, #tpu.memory_space<hbm>>) target(%arg14 : memref<32x768xf32, #tpu.memory_space<vmem>>) offsets(%dma_start3A_293 : memref<32xi32, #tpu.memory_space<vmem>>) semaphore(%arg16 : memref<!tpu.dma_semaphore, #tpu.memory_space<semaphore_mem>>)
    %add3A_297 = arith.constant 320 : i32
    %add3A_298 = arith.addi %mul3A_35, %add3A_297 : i32
    %dma_start3A_299 = arith.constant 0 : i32
    %dma_start3A_300 = tpu.memref_slice %arg5[%add3A, %add3A_298, %dma_start3A_299] : memref<4x4096x768xf32, #tpu.memory_space<hbm>> -> memref<1x32x768xf32, #tpu.memory_space<hbm>>
    %dma_start3A_301 = tpu.memref_squeeze %dma_start3A_300 : memref<1x32x768xf32, #tpu.memory_space<hbm>> -> memref<32x768xf32, #tpu.memory_space<hbm>>
    %dma_start3A_302 = arith.constant 0 : i32
    %dma_start3A_303 = tpu.memref_slice %arg5[%add3A, %add3A_298, %dma_start3A_302] : memref<4x4096x768xf32, #tpu.memory_space<hbm>> -> memref<1x32x768xf32, #tpu.memory_space<hbm>>
    %dma_start3A_304 = tpu.memref_squeeze %dma_start3A_303 : memref<1x32x768xf32, #tpu.memory_space<hbm>> -> memref<32x768xf32, #tpu.memory_space<hbm>>
    tpu.enqueue_dma source(%arg13 : memref<32x768xf32, #tpu.memory_space<vmem>>) target(%dma_start3A_304 : memref<32x768xf32, #tpu.memory_space<hbm>>) target_semaphore(%arg17 : memref<!tpu.dma_semaphore, #tpu.memory_space<semaphore_mem>>)
    %dma_wait3A_305 = arith.constant 352 : i32
    %dma_wait3A_306 = tpu.memref_slice %arg12[%dma_wait3A_305] : memref<512xi32, #tpu.memory_space<vmem>> -> memref<32xi32, #tpu.memory_space<vmem>>
    %dma_wait3A_307 = arith.constant 0 : i32
    %dma_wait3A_308 = arith.constant 0 : i32
    %dma_wait3A_309 = tpu.memref_slice %arg2[%dma_wait3A_307, %dma_wait3A_308] : memref<32768x768xf32, #tpu.memory_space<hbm>> -> memref<32768x768xf32, #tpu.memory_space<hbm>>
    tpu.wait_indirect_dma semaphore(%arg16 : memref<!tpu.dma_semaphore, #tpu.memory_space<semaphore_mem>>) src(%dma_wait3A_309 : memref<32768x768xf32, #tpu.memory_space<hbm>>) dst(%arg14 : memref<32x768xf32, #tpu.memory_space<vmem>>)
    %dma_wait3A_310 = arith.constant 0 : i32
    %dma_wait3A_311 = tpu.memref_slice %arg5[%add3A, %add3A_298, %dma_wait3A_310] : memref<4x4096x768xf32, #tpu.memory_space<hbm>> -> memref<1x32x768xf32, #tpu.memory_space<hbm>>
    %dma_wait3A_312 = tpu.memref_squeeze %dma_wait3A_311 : memref<1x32x768xf32, #tpu.memory_space<hbm>> -> memref<32x768xf32, #tpu.memory_space<hbm>>
    %dma_wait3A_313 = arith.constant 0 : i32
    %dma_wait3A_314 = tpu.memref_slice %arg5[%add3A, %add3A_298, %dma_wait3A_313] : memref<4x4096x768xf32, #tpu.memory_space<hbm>> -> memref<1x32x768xf32, #tpu.memory_space<hbm>>
    %dma_wait3A_315 = tpu.memref_squeeze %dma_wait3A_314 : memref<1x32x768xf32, #tpu.memory_space<hbm>> -> memref<32x768xf32, #tpu.memory_space<hbm>>
    tpu.wait_dma2 semaphore(%arg17 : memref<!tpu.dma_semaphore, #tpu.memory_space<semaphore_mem>>) src(%arg13 : memref<32x768xf32, #tpu.memory_space<vmem>>) dst(%dma_wait3A_315 : memref<32x768xf32, #tpu.memory_space<hbm>>)
    %dma_start3A_316 = arith.constant 384 : i32
    %dma_start3A_317 = tpu.memref_slice %arg12[%dma_start3A_316] : memref<512xi32, #tpu.memory_space<vmem>> -> memref<32xi32, #tpu.memory_space<vmem>>
    %dma_start3A_318 = arith.constant 0 : i32
    %dma_start3A_319 = arith.constant 0 : i32
    %dma_start3A_320 = tpu.memref_slice %arg2[%dma_start3A_318, %dma_start3A_319] : memref<32768x768xf32, #tpu.memory_space<hbm>> -> memref<32768x768xf32, #tpu.memory_space<hbm>>
    tpu.enqueue_indirect_dma source(%dma_start3A_320 : memref<32768x768xf32, #tpu.memory_space<hbm>>) target(%arg13 : memref<32x768xf32, #tpu.memory_space<vmem>>) offsets(%dma_start3A_317 : memref<32xi32, #tpu.memory_space<vmem>>) semaphore(%arg15 : memref<!tpu.dma_semaphore, #tpu.memory_space<semaphore_mem>>)
    %add3A_321 = arith.constant 352 : i32
    %add3A_322 = arith.addi %mul3A_35, %add3A_321 : i32
    %dma_start3A_323 = arith.constant 0 : i32
    %dma_start3A_324 = tpu.memref_slice %arg5[%add3A, %add3A_322, %dma_start3A_323] : memref<4x4096x768xf32, #tpu.memory_space<hbm>> -> memref<1x32x768xf32, #tpu.memory_space<hbm>>
    %dma_start3A_325 = tpu.memref_squeeze %dma_start3A_324 : memref<1x32x768xf32, #tpu.memory_space<hbm>> -> memref<32x768xf32, #tpu.memory_space<hbm>>
    %dma_start3A_326 = arith.constant 0 : i32
    %dma_start3A_327 = tpu.memref_slice %arg5[%add3A, %add3A_322, %dma_start3A_326] : memref<4x4096x768xf32, #tpu.memory_space<hbm>> -> memref<1x32x768xf32, #tpu.memory_space<hbm>>
    %dma_start3A_328 = tpu.memref_squeeze %dma_start3A_327 : memref<1x32x768xf32, #tpu.memory_space<hbm>> -> memref<32x768xf32, #tpu.memory_space<hbm>>
    tpu.enqueue_dma source(%arg14 : memref<32x768xf32, #tpu.memory_space<vmem>>) target(%dma_start3A_328 : memref<32x768xf32, #tpu.memory_space<hbm>>) target_semaphore(%arg18 : memref<!tpu.dma_semaphore, #tpu.memory_space<semaphore_mem>>)
    %dma_wait3A_329 = arith.constant 384 : i32
    %dma_wait3A_330 = tpu.memref_slice %arg12[%dma_wait3A_329] : memref<512xi32, #tpu.memory_space<vmem>> -> memref<32xi32, #tpu.memory_space<vmem>>
    %dma_wait3A_331 = arith.constant 0 : i32
    %dma_wait3A_332 = arith.constant 0 : i32
    %dma_wait3A_333 = tpu.memref_slice %arg2[%dma_wait3A_331, %dma_wait3A_332] : memref<32768x768xf32, #tpu.memory_space<hbm>> -> memref<32768x768xf32, #tpu.memory_space<hbm>>
    tpu.wait_indirect_dma semaphore(%arg15 : memref<!tpu.dma_semaphore, #tpu.memory_space<semaphore_mem>>) src(%dma_wait3A_333 : memref<32768x768xf32, #tpu.memory_space<hbm>>) dst(%arg13 : memref<32x768xf32, #tpu.memory_space<vmem>>)
    %dma_wait3A_334 = arith.constant 0 : i32
    %dma_wait3A_335 = tpu.memref_slice %arg5[%add3A, %add3A_322, %dma_wait3A_334] : memref<4x4096x768xf32, #tpu.memory_space<hbm>> -> memref<1x32x768xf32, #tpu.memory_space<hbm>>
    %dma_wait3A_336 = tpu.memref_squeeze %dma_wait3A_335 : memref<1x32x768xf32, #tpu.memory_space<hbm>> -> memref<32x768xf32, #tpu.memory_space<hbm>>
    %dma_wait3A_337 = arith.constant 0 : i32
    %dma_wait3A_338 = tpu.memref_slice %arg5[%add3A, %add3A_322, %dma_wait3A_337] : memref<4x4096x768xf32, #tpu.memory_space<hbm>> -> memref<1x32x768xf32, #tpu.memory_space<hbm>>
    %dma_wait3A_339 = tpu.memref_squeeze %dma_wait3A_338 : memref<1x32x768xf32, #tpu.memory_space<hbm>> -> memref<32x768xf32, #tpu.memory_space<hbm>>
    tpu.wait_dma2 semaphore(%arg18 : memref<!tpu.dma_semaphore, #tpu.memory_space<semaphore_mem>>) src(%arg14 : memref<32x768xf32, #tpu.memory_space<vmem>>) dst(%dma_wait3A_339 : memref<32x768xf32, #tpu.memory_space<hbm>>)
    %dma_start3A_340 = arith.constant 416 : i32
    %dma_start3A_341 = tpu.memref_slice %arg12[%dma_start3A_340] : memref<512xi32, #tpu.memory_space<vmem>> -> memref<32xi32, #tpu.memory_space<vmem>>
    %dma_start3A_342 = arith.constant 0 : i32
    %dma_start3A_343 = arith.constant 0 : i32
    %dma_start3A_344 = tpu.memref_slice %arg2[%dma_start3A_342, %dma_start3A_343] : memref<32768x768xf32, #tpu.memory_space<hbm>> -> memref<32768x768xf32, #tpu.memory_space<hbm>>
    tpu.enqueue_indirect_dma source(%dma_start3A_344 : memref<32768x768xf32, #tpu.memory_space<hbm>>) target(%arg14 : memref<32x768xf32, #tpu.memory_space<vmem>>) offsets(%dma_start3A_341 : memref<32xi32, #tpu.memory_space<vmem>>) semaphore(%arg16 : memref<!tpu.dma_semaphore, #tpu.memory_space<semaphore_mem>>)
    %add3A_345 = arith.constant 384 : i32
    %add3A_346 = arith.addi %mul3A_35, %add3A_345 : i32
    %dma_start3A_347 = arith.constant 0 : i32
    %dma_start3A_348 = tpu.memref_slice %arg5[%add3A, %add3A_346, %dma_start3A_347] : memref<4x4096x768xf32, #tpu.memory_space<hbm>> -> memref<1x32x768xf32, #tpu.memory_space<hbm>>
    %dma_start3A_349 = tpu.memref_squeeze %dma_start3A_348 : memref<1x32x768xf32, #tpu.memory_space<hbm>> -> memref<32x768xf32, #tpu.memory_space<hbm>>
    %dma_start3A_350 = arith.constant 0 : i32
    %dma_start3A_351 = tpu.memref_slice %arg5[%add3A, %add3A_346, %dma_start3A_350] : memref<4x4096x768xf32, #tpu.memory_space<hbm>> -> memref<1x32x768xf32, #tpu.memory_space<hbm>>
    %dma_start3A_352 = tpu.memref_squeeze %dma_start3A_351 : memref<1x32x768xf32, #tpu.memory_space<hbm>> -> memref<32x768xf32, #tpu.memory_space<hbm>>
    tpu.enqueue_dma source(%arg13 : memref<32x768xf32, #tpu.memory_space<vmem>>) target(%dma_start3A_352 : memref<32x768xf32, #tpu.memory_space<hbm>>) target_semaphore(%arg17 : memref<!tpu.dma_semaphore, #tpu.memory_space<semaphore_mem>>)
    %dma_wait3A_353 = arith.constant 416 : i32
    %dma_wait3A_354 = tpu.memref_slice %arg12[%dma_wait3A_353] : memref<512xi32, #tpu.memory_space<vmem>> -> memref<32xi32, #tpu.memory_space<vmem>>
    %dma_wait3A_355 = arith.constant 0 : i32
    %dma_wait3A_356 = arith.constant 0 : i32
    %dma_wait3A_357 = tpu.memref_slice %arg2[%dma_wait3A_355, %dma_wait3A_356] : memref<32768x768xf32, #tpu.memory_space<hbm>> -> memref<32768x768xf32, #tpu.memory_space<hbm>>
    tpu.wait_indirect_dma semaphore(%arg16 : memref<!tpu.dma_semaphore, #tpu.memory_space<semaphore_mem>>) src(%dma_wait3A_357 : memref<32768x768xf32, #tpu.memory_space<hbm>>) dst(%arg14 : memref<32x768xf32, #tpu.memory_space<vmem>>)
    %dma_wait3A_358 = arith.constant 0 : i32
    %dma_wait3A_359 = tpu.memref_slice %arg5[%add3A, %add3A_346, %dma_wait3A_358] : memref<4x4096x768xf32, #tpu.memory_space<hbm>> -> memref<1x32x768xf32, #tpu.memory_space<hbm>>
    %dma_wait3A_360 = tpu.memref_squeeze %dma_wait3A_359 : memref<1x32x768xf32, #tpu.memory_space<hbm>> -> memref<32x768xf32, #tpu.memory_space<hbm>>
    %dma_wait3A_361 = arith.constant 0 : i32
    %dma_wait3A_362 = tpu.memref_slice %arg5[%add3A, %add3A_346, %dma_wait3A_361] : memref<4x4096x768xf32, #tpu.memory_space<hbm>> -> memref<1x32x768xf32, #tpu.memory_space<hbm>>
    %dma_wait3A_363 = tpu.memref_squeeze %dma_wait3A_362 : memref<1x32x768xf32, #tpu.memory_space<hbm>> -> memref<32x768xf32, #tpu.memory_space<hbm>>
    tpu.wait_dma2 semaphore(%arg17 : memref<!tpu.dma_semaphore, #tpu.memory_space<semaphore_mem>>) src(%arg13 : memref<32x768xf32, #tpu.memory_space<vmem>>) dst(%dma_wait3A_363 : memref<32x768xf32, #tpu.memory_space<hbm>>)
    %dma_start3A_364 = arith.constant 448 : i32
    %dma_start3A_365 = tpu.memref_slice %arg12[%dma_start3A_364] : memref<512xi32, #tpu.memory_space<vmem>> -> memref<32xi32, #tpu.memory_space<vmem>>
    %dma_start3A_366 = arith.constant 0 : i32
    %dma_start3A_367 = arith.constant 0 : i32
    %dma_start3A_368 = tpu.memref_slice %arg2[%dma_start3A_366, %dma_start3A_367] : memref<32768x768xf32, #tpu.memory_space<hbm>> -> memref<32768x768xf32, #tpu.memory_space<hbm>>
    tpu.enqueue_indirect_dma source(%dma_start3A_368 : memref<32768x768xf32, #tpu.memory_space<hbm>>) target(%arg13 : memref<32x768xf32, #tpu.memory_space<vmem>>) offsets(%dma_start3A_365 : memref<32xi32, #tpu.memory_space<vmem>>) semaphore(%arg15 : memref<!tpu.dma_semaphore, #tpu.memory_space<semaphore_mem>>)
    %add3A_369 = arith.constant 416 : i32
    %add3A_370 = arith.addi %mul3A_35, %add3A_369 : i32
    %dma_start3A_371 = arith.constant 0 : i32
    %dma_start3A_372 = tpu.memref_slice %arg5[%add3A, %add3A_370, %dma_start3A_371] : memref<4x4096x768xf32, #tpu.memory_space<hbm>> -> memref<1x32x768xf32, #tpu.memory_space<hbm>>
    %dma_start3A_373 = tpu.memref_squeeze %dma_start3A_372 : memref<1x32x768xf32, #tpu.memory_space<hbm>> -> memref<32x768xf32, #tpu.memory_space<hbm>>
    %dma_start3A_374 = arith.constant 0 : i32
    %dma_start3A_375 = tpu.memref_slice %arg5[%add3A, %add3A_370, %dma_start3A_374] : memref<4x4096x768xf32, #tpu.memory_space<hbm>> -> memref<1x32x768xf32, #tpu.memory_space<hbm>>
    %dma_start3A_376 = tpu.memref_squeeze %dma_start3A_375 : memref<1x32x768xf32, #tpu.memory_space<hbm>> -> memref<32x768xf32, #tpu.memory_space<hbm>>
    tpu.enqueue_dma source(%arg14 : memref<32x768xf32, #tpu.memory_space<vmem>>) target(%dma_start3A_376 : memref<32x768xf32, #tpu.memory_space<hbm>>) target_semaphore(%arg18 : memref<!tpu.dma_semaphore, #tpu.memory_space<semaphore_mem>>)
    %dma_wait3A_377 = arith.constant 448 : i32
    %dma_wait3A_378 = tpu.memref_slice %arg12[%dma_wait3A_377] : memref<512xi32, #tpu.memory_space<vmem>> -> memref<32xi32, #tpu.memory_space<vmem>>
    %dma_wait3A_379 = arith.constant 0 : i32
    %dma_wait3A_380 = arith.constant 0 : i32
    %dma_wait3A_381 = tpu.memref_slice %arg2[%dma_wait3A_379, %dma_wait3A_380] : memref<32768x768xf32, #tpu.memory_space<hbm>> -> memref<32768x768xf32, #tpu.memory_space<hbm>>
    tpu.wait_indirect_dma semaphore(%arg15 : memref<!tpu.dma_semaphore, #tpu.memory_space<semaphore_mem>>) src(%dma_wait3A_381 : memref<32768x768xf32, #tpu.memory_space<hbm>>) dst(%arg13 : memref<32x768xf32, #tpu.memory_space<vmem>>)
    %dma_wait3A_382 = arith.constant 0 : i32
    %dma_wait3A_383 = tpu.memref_slice %arg5[%add3A, %add3A_370, %dma_wait3A_382] : memref<4x4096x768xf32, #tpu.memory_space<hbm>> -> memref<1x32x768xf32, #tpu.memory_space<hbm>>
    %dma_wait3A_384 = tpu.memref_squeeze %dma_wait3A_383 : memref<1x32x768xf32, #tpu.memory_space<hbm>> -> memref<32x768xf32, #tpu.memory_space<hbm>>
    %dma_wait3A_385 = arith.constant 0 : i32
    %dma_wait3A_386 = tpu.memref_slice %arg5[%add3A, %add3A_370, %dma_wait3A_385] : memref<4x4096x768xf32, #tpu.memory_space<hbm>> -> memref<1x32x768xf32, #tpu.memory_space<hbm>>
    %dma_wait3A_387 = tpu.memref_squeeze %dma_wait3A_386 : memref<1x32x768xf32, #tpu.memory_space<hbm>> -> memref<32x768xf32, #tpu.memory_space<hbm>>
    tpu.wait_dma2 semaphore(%arg18 : memref<!tpu.dma_semaphore, #tpu.memory_space<semaphore_mem>>) src(%arg14 : memref<32x768xf32, #tpu.memory_space<vmem>>) dst(%dma_wait3A_387 : memref<32x768xf32, #tpu.memory_space<hbm>>)
    %dma_start3A_388 = arith.constant 480 : i32
    %dma_start3A_389 = tpu.memref_slice %arg12[%dma_start3A_388] : memref<512xi32, #tpu.memory_space<vmem>> -> memref<32xi32, #tpu.memory_space<vmem>>
    %dma_start3A_390 = arith.constant 0 : i32
    %dma_start3A_391 = arith.constant 0 : i32
    %dma_start3A_392 = tpu.memref_slice %arg2[%dma_start3A_390, %dma_start3A_391] : memref<32768x768xf32, #tpu.memory_space<hbm>> -> memref<32768x768xf32, #tpu.memory_space<hbm>>
    tpu.enqueue_indirect_dma source(%dma_start3A_392 : memref<32768x768xf32, #tpu.memory_space<hbm>>) target(%arg14 : memref<32x768xf32, #tpu.memory_space<vmem>>) offsets(%dma_start3A_389 : memref<32xi32, #tpu.memory_space<vmem>>) semaphore(%arg16 : memref<!tpu.dma_semaphore, #tpu.memory_space<semaphore_mem>>)
    %add3A_393 = arith.constant 448 : i32
    %add3A_394 = arith.addi %mul3A_35, %add3A_393 : i32
    %dma_start3A_395 = arith.constant 0 : i32
    %dma_start3A_396 = tpu.memref_slice %arg5[%add3A, %add3A_394, %dma_start3A_395] : memref<4x4096x768xf32, #tpu.memory_space<hbm>> -> memref<1x32x768xf32, #tpu.memory_space<hbm>>
    %dma_start3A_397 = tpu.memref_squeeze %dma_start3A_396 : memref<1x32x768xf32, #tpu.memory_space<hbm>> -> memref<32x768xf32, #tpu.memory_space<hbm>>
    %dma_start3A_398 = arith.constant 0 : i32
    %dma_start3A_399 = tpu.memref_slice %arg5[%add3A, %add3A_394, %dma_start3A_398] : memref<4x4096x768xf32, #tpu.memory_space<hbm>> -> memref<1x32x768xf32, #tpu.memory_space<hbm>>
    %dma_start3A_400 = tpu.memref_squeeze %dma_start3A_399 : memref<1x32x768xf32, #tpu.memory_space<hbm>> -> memref<32x768xf32, #tpu.memory_space<hbm>>
    tpu.enqueue_dma source(%arg13 : memref<32x768xf32, #tpu.memory_space<vmem>>) target(%dma_start3A_400 : memref<32x768xf32, #tpu.memory_space<hbm>>) target_semaphore(%arg17 : memref<!tpu.dma_semaphore, #tpu.memory_space<semaphore_mem>>)
    %dma_wait3A_401 = arith.constant 480 : i32
    %dma_wait3A_402 = tpu.memref_slice %arg12[%dma_wait3A_401] : memref<512xi32, #tpu.memory_space<vmem>> -> memref<32xi32, #tpu.memory_space<vmem>>
    %dma_wait3A_403 = arith.constant 0 : i32
    %dma_wait3A_404 = arith.constant 0 : i32
    %dma_wait3A_405 = tpu.memref_slice %arg2[%dma_wait3A_403, %dma_wait3A_404] : memref<32768x768xf32, #tpu.memory_space<hbm>> -> memref<32768x768xf32, #tpu.memory_space<hbm>>
    tpu.wait_indirect_dma semaphore(%arg16 : memref<!tpu.dma_semaphore, #tpu.memory_space<semaphore_mem>>) src(%dma_wait3A_405 : memref<32768x768xf32, #tpu.memory_space<hbm>>) dst(%arg14 : memref<32x768xf32, #tpu.memory_space<vmem>>)
    %dma_wait3A_406 = arith.constant 0 : i32
    %dma_wait3A_407 = tpu.memref_slice %arg5[%add3A, %add3A_394, %dma_wait3A_406] : memref<4x4096x768xf32, #tpu.memory_space<hbm>> -> memref<1x32x768xf32, #tpu.memory_space<hbm>>
    %dma_wait3A_408 = tpu.memref_squeeze %dma_wait3A_407 : memref<1x32x768xf32, #tpu.memory_space<hbm>> -> memref<32x768xf32, #tpu.memory_space<hbm>>
    %dma_wait3A_409 = arith.constant 0 : i32
    %dma_wait3A_410 = tpu.memref_slice %arg5[%add3A, %add3A_394, %dma_wait3A_409] : memref<4x4096x768xf32, #tpu.memory_space<hbm>> -> memref<1x32x768xf32, #tpu.memory_space<hbm>>
    %dma_wait3A_411 = tpu.memref_squeeze %dma_wait3A_410 : memref<1x32x768xf32, #tpu.memory_space<hbm>> -> memref<32x768xf32, #tpu.memory_space<hbm>>
    tpu.wait_dma2 semaphore(%arg17 : memref<!tpu.dma_semaphore, #tpu.memory_space<semaphore_mem>>) src(%arg13 : memref<32x768xf32, #tpu.memory_space<vmem>>) dst(%dma_wait3A_411 : memref<32x768xf32, #tpu.memory_space<hbm>>)
    %add3A_412 = arith.constant 480 : i32
    %add3A_413 = arith.addi %mul3A_35, %add3A_412 : i32
    %dma_start3A_414 = arith.constant 0 : i32
    %dma_start3A_415 = tpu.memref_slice %arg5[%add3A, %add3A_413, %dma_start3A_414] : memref<4x4096x768xf32, #tpu.memory_space<hbm>> -> memref<1x32x768xf32, #tpu.memory_space<hbm>>
    %dma_start3A_416 = tpu.memref_squeeze %dma_start3A_415 : memref<1x32x768xf32, #tpu.memory_space<hbm>> -> memref<32x768xf32, #tpu.memory_space<hbm>>
    %dma_start3A_417 = arith.constant 0 : i32
    %dma_start3A_418 = tpu.memref_slice %arg5[%add3A, %add3A_413, %dma_start3A_417] : memref<4x4096x768xf32, #tpu.memory_space<hbm>> -> memref<1x32x768xf32, #tpu.memory_space<hbm>>
    %dma_start3A_419 = tpu.memref_squeeze %dma_start3A_418 : memref<1x32x768xf32, #tpu.memory_space<hbm>> -> memref<32x768xf32, #tpu.memory_space<hbm>>
    tpu.enqueue_dma source(%arg14 : memref<32x768xf32, #tpu.memory_space<vmem>>) target(%dma_start3A_419 : memref<32x768xf32, #tpu.memory_space<hbm>>) target_semaphore(%arg18 : memref<!tpu.dma_semaphore, #tpu.memory_space<semaphore_mem>>)
    %dma_wait3A_420 = arith.constant 0 : i32
    %dma_wait3A_421 = tpu.memref_slice %arg5[%add3A, %add3A_413, %dma_wait3A_420] : memref<4x4096x768xf32, #tpu.memory_space<hbm>> -> memref<1x32x768xf32, #tpu.memory_space<hbm>>
    %dma_wait3A_422 = tpu.memref_squeeze %dma_wait3A_421 : memref<1x32x768xf32, #tpu.memory_space<hbm>> -> memref<32x768xf32, #tpu.memory_space<hbm>>
    %dma_wait3A_423 = arith.constant 0 : i32
    %dma_wait3A_424 = tpu.memref_slice %arg5[%add3A, %add3A_413, %dma_wait3A_423] : memref<4x4096x768xf32, #tpu.memory_space<hbm>> -> memref<1x32x768xf32, #tpu.memory_space<hbm>>
    %dma_wait3A_425 = tpu.memref_squeeze %dma_wait3A_424 : memref<1x32x768xf32, #tpu.memory_space<hbm>> -> memref<32x768xf32, #tpu.memory_space<hbm>>
    tpu.wait_dma2 semaphore(%arg18 : memref<!tpu.dma_semaphore, #tpu.memory_space<semaphore_mem>>) src(%arg14 : memref<32x768xf32, #tpu.memory_space<vmem>>) dst(%dma_wait3A_425 : memref<32x768xf32, #tpu.memory_space<hbm>>)
    return
  }
}

module attributes {stable_mosaic.version = 14 : i64} {
  func.func @_params_body(%arg0: memref<4x8192xf32, #tpu.memory_space<vmem>>, %arg1: memref<4x128xi32, #tpu.memory_space<vmem>>) attributes {dimension_semantics = [], scalar_prefetch = 0 : i64, scratch_operands = 0 : i64, tpu.core_type = #tpu.core_type<tc>} {
    %get3A = arith.constant 0 : index
    %get3A_0 = arith.constant 0 : index
    %get3A_1 = vector.load %arg0[%get3A, %get3A_0] : memref<4x8192xf32, #tpu.memory_space<vmem>>, vector<4x8192xf32>
    %bitcast_convert_type3A = tpu.bitcast %get3A_1 : vector<4x8192xf32> -> vector<4x8192xi32>
    %shift_right_arithmetic3A = arith.constant 31 : i32
    %shift_right_arithmetic3A_2 = vector.broadcast %shift_right_arithmetic3A : i32 to vector<4x8192xi32>
    %shift_right_arithmetic3A_3 = arith.shrsi %bitcast_convert_type3A, %shift_right_arithmetic3A_2 : vector<4x8192xi32>
    %or3A = arith.constant -2147483648 : i32
    %or3A_4 = vector.broadcast %or3A : i32 to vector<4x8192xi32>
    %or3A_5 = arith.ori %shift_right_arithmetic3A_3, %or3A_4 : vector<4x8192xi32>
    %xor3A = arith.xori %bitcast_convert_type3A, %or3A_5 : vector<4x8192xi32>
    %bitcast_convert_type3A_6 = tpu.bitcast %xor3A : vector<4x8192xi32> -> vector<4x8192xi32>
    %broadcast_in_dim3A = arith.constant 0 : i32
    %broadcast_in_dim3A_7 = vector.broadcast %broadcast_in_dim3A : i32 to vector<4x1xi32>
    %scan3A = arith.constant 0 : i32
    %scan3A_8 = arith.constant 32 : i32
    %scan3A_9 = arith.addi %scan3A, %scan3A_8 : i32
    %scan3A_10 = arith.constant 1 : i32
    %scan3A_11 = scf.for %scan3A_34 = %scan3A to %scan3A_9 step %scan3A_10 iter_args(%scan3A_35 = %broadcast_in_dim3A_7) -> (vector<4x1xi32>)  : i32 {
      %sub3A_36 = arith.constant 31 : i32
      %sub3A_37 = arith.subi %sub3A_36, %scan3A_34 : i32
      %shift_left3A = arith.constant 1 : i32
      %shift_left3A_38 = arith.shli %shift_left3A, %sub3A_37 : i32
      %or3A_39 = vector.broadcast %shift_left3A_38 : i32 to vector<4x1xi32>
      %or3A_40 = arith.ori %scan3A_35, %or3A_39 : vector<4x1xi32>
      %ge3A = vector.broadcast %or3A_40 : vector<4x1xi32> to vector<4x8192xi32>
      %ge3A_41 = arith.cmpi uge, %bitcast_convert_type3A_6, %ge3A : vector<4x8192xi32>
      %convert_element_type3A_42 = arith.extui %ge3A_41 : vector<4x8192xi1> to vector<4x8192xi32>
      %reduce_sum3A_43 = arith.constant dense<0> : vector<4xi32>
      %reduce_sum3A_44 = vector.multi_reduction <add>, %convert_element_type3A_42, %reduce_sum3A_43 [1] : vector<4x8192xi32> to vector<4xi32>
      %broadcast_in_dim3A_45 = vector.shape_cast %reduce_sum3A_44 : vector<4xi32> to vector<4x1xi32>
      %ge3A_46 = arith.constant 4096 : i32
      %ge3A_47 = vector.broadcast %ge3A_46 : i32 to vector<4x1xi32>
      %ge3A_48 = arith.cmpi sge, %broadcast_in_dim3A_45, %ge3A_47 : vector<4x1xi32>
      %select_n3A_49 = arith.select %ge3A_48, %or3A_40, %scan3A_35 : vector<4x1xi1>, vector<4x1xi32>
      scf.yield %select_n3A_49 : vector<4x1xi32>
    }
    %scan3A_12 = arith.constant 32 : i32
    %gt3A = vector.broadcast %scan3A_11 : vector<4x1xi32> to vector<4x8192xi32>
    %gt3A_13 = arith.cmpi ugt, %bitcast_convert_type3A_6, %gt3A : vector<4x8192xi32>
    %convert_element_type3A = arith.extui %gt3A_13 : vector<4x8192xi1> to vector<4x8192xi32>
    %reduce_sum3A = arith.constant dense<0> : vector<4xi32>
    %reduce_sum3A_14 = vector.multi_reduction <add>, %convert_element_type3A, %reduce_sum3A [1] : vector<4x8192xi32> to vector<4xi32>
    %broadcast_in_dim3A_15 = vector.shape_cast %reduce_sum3A_14 : vector<4xi32> to vector<4x1xi32>
    %sub3A = arith.constant 4096 : i32
    %sub3A_16 = vector.broadcast %sub3A : i32 to vector<4x1xi32>
    %sub3A_17 = arith.subi %sub3A_16, %broadcast_in_dim3A_15 : vector<4x1xi32>
    %iota3A = tpu.iota {dimensions = array<i32: 1>} : vector<4x128xi32>
    %eq3A = arith.constant 0 : i32
    %eq3A_18 = vector.broadcast %eq3A : i32 to vector<4x128xi32>
    %eq3A_19 = arith.cmpi eq, %iota3A, %eq3A_18 : vector<4x128xi32>
    %jit3A = arith.constant 0 : i32
    %broadcast_in_dim3A_20 = vector.shape_cast %scan3A_11 : vector<4x1xi32> to vector<4x1xi32>
    %broadcast_in_dim3A_21 = vector.broadcast %broadcast_in_dim3A_20 : vector<4x1xi32> to vector<4x128xi32>
    %broadcast_in_dim3A_22 = vector.broadcast %jit3A : i32 to vector<4x128xi32>
    %select_n3A = arith.select %eq3A_19, %broadcast_in_dim3A_21, %broadcast_in_dim3A_22 : vector<4x128xi1>, vector<4x128xi32>
    %eq3A_23 = arith.constant 1 : i32
    %eq3A_24 = vector.broadcast %eq3A_23 : i32 to vector<4x128xi32>
    %eq3A_25 = arith.cmpi eq, %iota3A, %eq3A_24 : vector<4x128xi32>
    %jit3A_26 = arith.constant 0 : i32
    %broadcast_in_dim3A_27 = vector.shape_cast %sub3A_17 : vector<4x1xi32> to vector<4x1xi32>
    %broadcast_in_dim3A_28 = vector.broadcast %broadcast_in_dim3A_27 : vector<4x1xi32> to vector<4x128xi32>
    %broadcast_in_dim3A_29 = vector.broadcast %jit3A_26 : i32 to vector<4x128xi32>
    %select_n3A_30 = arith.select %eq3A_25, %broadcast_in_dim3A_28, %broadcast_in_dim3A_29 : vector<4x128xi1>, vector<4x128xi32>
    %or3A_31 = arith.ori %select_n3A, %select_n3A_30 : vector<4x128xi32>
    %swap3A = arith.constant 0 : index
    %swap3A_32 = arith.constant 0 : index
    %swap3A_33 = vector.load %arg1[%swap3A, %swap3A_32] : memref<4x128xi32, #tpu.memory_space<vmem>>, vector<4x128xi32>
    tpu.vector_store %arg1[%swap3A, %swap3A_32], %or3A_31 {strides = array<i32>} : memref<4x128xi32, #tpu.memory_space<vmem>>, vector<4x128xi32>,
    return
  }
}

</mosaic_0001>

<sc_bundles>
// kernel: kernel.4.cloned.1.call-start
scs
__scs_entry_jumppad:
0x0: {  	(pc) =	sbr.rel $0x88, $3  }
0x1: {  	(tag) =	ssettag $0x0;
	lr =	simm.s32 $0x1  }
0x2: {  	[smem:$0x3F9C] =	sst lr;
	_ =	strace $0xD0000000  }
0x3: {  	_ = 	snop  }
0x4: {  	_ = 	snop  }
0x5: {  	_ = 	snop  }
0x6: {  	_ = 	snop  }
0x7: {  	_ = 	snop  }
__scs_overlays_trampoline_lowered:
0x8: {  	[smem:$0x3FAB] =	sst s0  }
0x9: {  	[smem:$0x3FAC] =	sst s1  }
0xa: {  	[smem:$0x3FAD] =	sst s2  }
0xb: {  	[smem:$0x3FAE] =	sst s3  }
0xc: {  	[smem:$0x3FAF] =	sst s4  }
0xd: {  	[smem:$0x3FB0] =	sst s5  }
0xe: {  	[smem:$0x3FB1] =	sst s6  }
0xf: {  	[smem:$0x3FB2] =	sst s7  }
0x10: {  	[smem:$0x3FB3] =	sst s8  }
0x11: {  	[smem:$0x3FB4] =	sst s9;
	s0 =	simm.s32 @!p0 $0x0  }
0x12: {  	s1 =	sld [smem:$0x3F9A];
	s0 =	simm.s32 @p0 $0x1  }
0x13: {  	[smem:$0x3FB5] =	sst s0;
	s0 =	simm.s32 @!p1 $0x0  }
0x14: {  	s2 =	sld [smem:$0x3F99];
	s0 =	simm.s32 @p1 $0x1  }
0x15: {  	[smem:$0x3FB6] =	sst s0;
	s0 =	simm.s32 @!p2 $0x0  }
0x16: {  	s3 =	sld [smem:$0x3FDB];
	s0 =	simm.s32 @p2 $0x1  }
0x17: {  	s4 =	simm.s32 $0x1BF5;
	[smem:$0x3FB8] =	sst s0  }
0x18: {  	s0 =	sld [smem:$0x3F9B];
	_ =	swait.ge [sflag:s4], $0x0  }
0x19: {  	s7 =	sld [smem:$0x3F9C]  }
0x1a: {  	s8 =	sadd.s32 $0xFFFFE003, lr  }
0x1b: {  	s9 =	sadd.s32 $0xFFFFFEF7, lr;
	s5 =	simm.s32 $0xFFFFFFFF;
	p2 =	slt.u32 s8, $0xFFFFF086  }
0x1c: {  	p1 =	slt.u32 s9, $0xF7A;
	s5 =	simm.s32 @!p2 $0x0  }
0x1d: {  	s5 =	simm.s32 @p1 $0x1;
	p0 =	seq.s32 s7, s2  }
0x1e: {  	s7 =	smul.u32 @!p0 $0xF7A, s2;
	p2 =	seq.s32 @!p0 s5, $0x0  }
0x1f: {  	s9 =	smul.u32 $0xF7A, s1;
	s8 =	simm.s32 @!p0 $0x1BF5;
	p2 =	por !p2, p0  }
0x20: {  	[sflag:s8] =	ssyncset.s32 @!p0 $0xFFFFF086;
	s6 =	sadd.s32 @!p0 s3, s7;
	s7 =	simm.s32 @!p0 $0x108  }
0x21: {  	s3 =	sadd.s32 s3, s9;
	s6 =	sadd.s32 @!p0 $0x88, s6;
	s7 =	simm.s32 @p2 $0x1082  }
0x22: {  	[simem:s7], [sflag:s8] =	dma.local @!p0 [hbm:s6], $0xF7A  }
0x23: {  	s9 =	sor.u32 $0xD0000000, s2;
	s6 =	simm.s32 $0x108;
	_ =	swait.ge @!p0 [sflag:s8], $0x0  }
0x24: {  	s3 =	sadd.s32 $0x88, s3;
	s6 =	simm.s32 @!p1 $0x1082;
	[sflag:s4] =	ssyncset.s32 $0xFFFFF086  }
0x25: {  	[simem:s6], [sflag:s4] =	dma.local [hbm:s3], $0xF7A  }
0x26: {  	[smem:$0x3F9C] =	sst s1;
	(tag) =	ssettag s2;
	_ =	strace s9  }
0x27: {  	s1 =	sld [smem:$0x3FAC]  }
0x28: {  	s2 =	sld [smem:$0x3FAD]  }
0x29: {  	s4 =	sld [smem:$0x3FAF]  }
0x2a: {  	p0 =	seq.s32 s5, $0x0;
	s5 =	sld [smem:$0x3FB0]  }
0x2b: {  	s6 =	sld [smem:$0x3FB1]  }
0x2c: {  	s7 =	sld [smem:$0x3FB2]  }
0x2d: {  	s3 =	simm.s32 $0x108;
	s8 =	sld [smem:$0x3FB3]  }
0x2e: {  	s3 =	simm.s32 @!p0 $0x1082;
	s9 =	sld [smem:$0x3FB4]  }
0x2f: {  	lr =	sadd.s32 s0, s3;
	s0 =	sld [smem:$0x3FAB]  }
0x30: {  	s3 =	sld [smem:$0x3FAE]  }
0x31: {  	[smem:$0x3FB7] =	sst s10  }
0x32: {  	s10 =	sld [smem:$0x3FB5];
	_ =	sdelay $0x3  }
0x33: {  	p0 =	seq.s32 s10, $0x1;
	s10 =	sld [smem:$0x3FB7];
	_ =	sdelay $0x3  }
0x34: {  	[smem:$0x3FB7] =	sst s10  }
0x35: {  	s10 =	sld [smem:$0x3FB6];
	_ =	sdelay $0x3  }
0x36: {  	p1 =	seq.s32 s10, $0x1;
	s10 =	sld [smem:$0x3FB7];
	_ =	sdelay $0x3  }
0x37: {  	[smem:$0x3FB7] =	sst s10  }
0x38: {  	s10 =	sld [smem:$0x3FB8]  }
0x39: {  	_ = 	snop;
	(pc) =	sbr.ind lr, $3  }
0x3a: {  	_ = 	snop  }
0x3b: {  	_ = 	snop  }
0x3c: {  	p2 =	seq.s32 s10, $0x1;
	s10 =	sld [smem:$0x3FB7]  }
0x3d: {  	_ =	shalt  }
0x3e: {  	_ =	shalt  }
0x3f: {  	_ =	shalt  }
0x40: {  	_ =	shalt  }
0x41: {  	_ =	shalt  }
0x42: {  	_ =	shalt  }
0x43: {  	_ =	shalt  }
0x44: {  	_ =	shalt  }
0x45: {  	_ =	shalt  }
0x46: {  	_ =	shalt  }
0x47: {  	_ =	shalt  }
0x48: {  	_ =	shalt  }
0x49: {  	_ =	shalt  }
0x4a: {  	_ =	shalt  }
0x4b: {  	_ =	shalt  }
0x4c: {  	_ =	shalt  }
0x4d: {  	_ =	shalt  }
0x4e: {  	_ =	shalt  }
0x4f: {  	_ =	shalt  }
0x50: {  	_ =	shalt  }
0x51: {  	_ =	shalt  }
0x52: {  	_ =	shalt  }
0x53: {  	_ =	shalt  }
0x54: {  	_ =	shalt  }
0x55: {  	_ =	shalt  }
0x56: {  	_ =	shalt  }
0x57: {  	_ =	shalt  }
0x58: {  	_ =	shalt  }
0x59: {  	_ =	shalt  }
0x5a: {  	_ =	shalt  }
0x5b: {  	_ =	shalt  }
0x5c: {  	_ =	shalt  }
0x5d: {  	_ =	shalt  }
0x5e: {  	_ =	shalt  }
0x5f: {  	_ =	shalt  }
0x60: {  	_ =	shalt  }
0x61: {  	_ =	shalt  }
0x62: {  	_ =	shalt  }
0x63: {  	_ =	shalt  }
0x64: {  	_ =	shalt  }
0x65: {  	_ =	shalt  }
0x66: {  	_ =	shalt  }
0x67: {  	_ =	shalt  }
0x68: {  	_ =	shalt  }
0x69: {  	_ =	shalt  }
0x6a: {  	_ =	shalt  }
0x6b: {  	_ =	shalt  }
0x6c: {  	_ =	shalt  }
0x6d: {  	_ =	shalt  }
0x6e: {  	_ =	shalt  }
0x6f: {  	_ =	shalt  }
0x70: {  	_ =	shalt  }
0x71: {  	_ =	shalt  }
0x72: {  	_ =	shalt  }
0x73: {  	_ =	shalt  }
0x74: {  	_ =	shalt  }
0x75: {  	_ =	shalt  }
0x76: {  	_ =	shalt  }
0x77: {  	_ =	shalt  }
0x78: {  	_ =	shalt  }
0x79: {  	_ =	shalt  }
0x7a: {  	_ =	shalt  }
0x7b: {  	_ =	shalt  }
0x7c: {  	_ =	shalt  }
0x7d: {  	_ =	shalt  }
0x7e: {  	_ =	shalt  }
0x7f: {  	_ =	shalt  }
0x80: {  	_ =	shalt  }
0x81: {  	_ =	shalt  }
0x82: {  	_ =	shalt  }
0x83: {  	_ =	shalt  }
0x84: {  	_ =	shalt  }
0x85: {  	_ =	shalt  }
0x86: {  	_ =	shalt  }
0x87: {  	_ =	shalt  }
.Lfunc_end0:
.L_simem_size_0:
called_computation_lowered:
.L_overlay_start_0:
0x88: {  	s2 =	sld [smem:$0x3FD9]  }
0x89: {  	s3 =	sld [smem:$0x3FFE];
	_ =	sdelay $0x1  }
0x8a: {  	s1 =	srdreg.scid  }
0x8b: {  	s0 =	sand.u32 $0x1, s1  }
0x8c: {  	s14 =	sshll.u32 s0, $0xA;
	s2 =	sadd.s32 s3, s2  }
0x8d: {  	s2 =	sadd.s32 s2, s14  }
0x8e: {  	[smem:$0x3FC3] =	sst s2  }
0x8f: {  	_ = 	snop  }
0x90: {  	s2 =	sld [smem:$0x3FD0];
	_ =	sdelay $0x2  }
0x91: {  	s4 =	simm.s32 $0xA;
	s5 =	simm.s32 $0x10;
	s15 =	sld [smem:$0x3FC9]  }
0x92: {  	[smem:s5], [sflag:s4] =	dma.local [hbm:s2], $0x1  }
0x93: {  	_ =	swait.eq [sflag:s4], $0x1  }
0x94: {  	[sflag:s4] =	ssyncset.done $0x0  }
0x95: {  	s16 =	sld [smem:$0x10];
	[sflag:s4] =	ssyncadd.s32 $0xFFFFFFFF  }
0x96: {  	s17 =	sld [smem:$0x11];
	(tm) =	ssettm $0x1  }
0x97: {  	s18 =	sld [smem:$0x3FFB];
	_ =	sdelay $0x3  }
0x98: {  	_ =	strace s18  }
0x99: {  	s5 =	sld [smem:$0x3FFC];
	_ =	sdelay $0x3  }
0x9a: {  	_ =	strace s5  }
0x9b: {  	s5 =	sld [smem:$0x3FFD];
	_ =	sdelay $0x3  }
0x9c: {  	_ =	strace s5  }
0x9d: {  	_ =	strace $0x8FFFFFFF  }
0x9e: {  	s19 =	sld [smem:$0x3FDB];
	_ =	sdelay $0x1  }
0x9f: {  	s6 =	simm.s32 $_scs_section_size  }
0xa0: {  	s7 =	simm.s32 $_size__tile_overlayer_lowered;
	s8 =	simm.s32 $_tile_overlayer_lowered  }
0xa1: {  	s22 =	simm.s32 $0x1BFF;
	s21 =	sshll.u32 s8, $0x1;
	s5 =	sadd.s32 s6, s19  }
0xa2: {  	s9 =	simm.s32 $0x0;
	s20 =	sshll.u32 s7, $0x1;
	s7 =	sadd.s32 s21, s5  }
0xa3: {  	[timem:s9], [sflag:s22] =	dma.local [hbm:s7], s20  }
0xa4: {  	_ =	swait.ge [sflag:s22], s20  }
0xa5: {  	s6 =	ssub.s32 $0x0, s20;
	[sflag:s22] =	ssyncset.done $0x0  }
0xa6: {  	[sflag:s22] =	ssyncadd.s32 s6;
	_ =	sdelay $0x1  }
0xa7: {  	s23 =	simm.s32 $0x1B8B  }
0xa8: {  	_ =	swait.ge [sflag:s23], $0x1  }
0xa9: {  	[sflag:s23] =	ssyncset.done $0x0  }
0xaa: {  	s25 =	simm.s32 $0x1B8E;
	s24 =	sld [smem:$0x3FFE];
	[sflag:s23] =	ssyncadd.s32 $0xFFFFFFFF  }
0xab: {  	s26 =	simm.s32 $execute0_lowered;
	[smem:$0x3FD2] =	sst s25  }
0xac: {  	s7 =	sshll.u32 s26, $0x1;
	_ =	strace $0x80000046;
	[dreg:$0x1] =	wrdreg $0xFFFFFFFF  }
0xad: {  	s28 =	simm.s32 $_size_execute0_lowered;
	s5 =	sadd.s32 s5, s7;
	[dreg:$0x0] =	wrdreg $0x0  }
0xae: {  	s7 =	sshll.u32 s28, $0x1;
	[dreg:$0x2] =	wrdreg s5  }
0xaf: {  	[dreg:$0x3] =	wrdreg s7  }
0xb0: {  	[dreg:$0x4] =	wrdreg $0xC0  }
0xb1: {  	_ =	task [dreg:s9], $0x5FFFF  }
0xb2: {  	[dreg:$0x1] =	wrdreg $0xFFFFFFFF  }
0xb3: {  	[dreg:$0x0] =	wrdreg $0x60  }
0xb4: {  	[dreg:$0x2] =	wrdreg s15  }
0xb5: {  	[dreg:$0x3] =	wrdreg s24  }
0xb6: {  	[dreg:$0x4] =	wrdreg s16  }
0xb7: {  	[dreg:$0x5] =	wrdreg s17  }
0xb8: {  	[dreg:$0x6] =	wrdreg $0x9  }
0xb9: {  	_ =	task.clear_ibuf [dreg:s9], $0x7FFFF;
	_ =	strace $0x90000046  }
0xba: {  	s29 =	simm.s32 $0x9;
	_ =	strace $0x80000048  }
0xbb: {  	_ =	swait.ge [sflag:s29], $0x1  }
0xbc: {  	[sflag:s29] =	ssyncadd.s32 $0xFFFFFFFF  }
0xbd: {  	_ =	strace $0x90000048  }
0xbe: {  	_ =	sfence  }
0xbf: {  	s30 =	sld [smem:$0x0];
	_ =	sdelay $0x2  }
0xc0: {  	s31 =	sshll.u32 s1, $0xD;
	s1 =	sshrl.u32 s1, $0x2  }
0xc1: {  	s3 =	sand.u32 $0x4000, s31;
	s1 =	sadd.s32 s1, s30  }
0xc2: {  	s0 =	sor.u32 s3, s0;
	s1 =	sshll.u32 s1, $0x11  }
0xc3: {  	s0 =	sor.u32 s1, s0  }
0xc4: {  	s0 =	sadd.s32 $0x8F2B, s0  }
0xc5: {  	[sflag:s0] =	ssyncadd.remote.s32 $0x1  }
0xc6: {  	_ =	sfence.sel $0xFFFF  }
0xc7: {  	[dreg:$0x0] =	wrdreg $0xFFFFFFFF;
	(pc) =	sbr.abs _section_cstart, $3  }
0xc8: {  	[dreg:$0x1] =	wrdreg $0xFFFFFFFF  }
0xc9: {  	_ =	task.clear_ibuf [dreg:s9], $0x2FFFF;
	_ =	strace $0x9FFFFFFF  }
0xca: {  	(tm) =	ssettm $0x7FFFFFFF  }
0xcb: {  	_ =	shalt  }
tec
execute0_lowered:
.L_overlay_start_1:
0x0: {  	(tag) =	ssettag $0x1  }
0x1: {  	s1 =	rddreg [dreg:$0x0]  }
0x2: {  	s0 =	rddreg [dreg:$0x1]  }
0x3: {  	s2 =	rddreg [dreg:$0x2]  }
0x4: {  	s4 =	rddreg [dreg:$0x3];
	s5 =	srdreg.scid  }
0x5: {  	s3 =	simm.s32 $0x0;
	s12 =	stileid.u32;
	s5 =	sand.u32 $0x1, s5  }
0x6: {  	[smem:$0x7FF] =	sst s3;
	s7 =	sshll.u32 s12, $0x4;
	s9 =	sshrl.u32 s12, $0x3  }
0x7: {  	s29 =	sand.u32 $0x7, s12;
	s6 =	sshll.u32 s5, $0x5;
	s8 =	sshll.u32 s5, $0x1  }
0x8: {  	_ =	strace $0x80000047;
	s5 =	ssub.s32 $0x2, s5;
	s11 =	smul.u32 $0x60000, s29  }
0x9: {  	s6 =	sadd.s32 s7, s6;
	s26 =	sor.u32 s9, s8;
	s10 =	sshrl.u32 s5, $0x1  }
0xa: {  	s8 =	sshll.u32 s29, $0x8;
	s9 =	smul.u32 $0x300000, s26;
	s0 =	sadd.s32 s6, s0  }
0xb: {  	s5 =	ssub.s32 s5, s10;
	s6 =	sadd.s32 s4, s6;
	s10 =	sshll.u32 s26, $0x4  }
0xc: {  	s7 =	sshll.u32 s26, $0xD;
	s31 =	sadd.s32 $0xC00, s0;
	[dreg:$0x7] =	wrdreg s6  }
0xd: {  	s0 =	sadd.s32 $0x1C00, s0;
	s26 =	smax.u32 s5, $0x1;
	[dreg:$0x5] =	wrdreg s31  }
0xe: {  	[dreg:$0x6] =	wrdreg s0;
	s9 =	sadd.s32 s11, s9;
	s0 =	sadd.s32 s4, s8  }
0xf: {  	[dreg:$0xc] =	wrdreg s26;
	s11 =	sshrl.u32 s9, $0x3;
	s0 =	sadd.s32 s10, s0  }
0x10: {  	[dreg:$0x10] =	wrdreg s0;
	s2 =	sadd.s32 s2, s11  }
0x11: {  	s13 =	sadd.s32 $0xC00, s2;
	[dreg:$0x11] =	wrdreg s2  }
0x12: {  	s14 =	sadd.s32 $0x1800, s2;
	[dreg:$0x12] =	wrdreg s13  }
0x13: {  	s15 =	sadd.s32 $0x2400, s2;
	[dreg:$0x13] =	wrdreg s14  }
0x14: {  	s16 =	sadd.s32 $0x3000, s2;
	[dreg:$0x14] =	wrdreg s15  }
0x15: {  	s17 =	sadd.s32 $0x3C00, s2;
	[dreg:$0x15] =	wrdreg s16  }
0x16: {  	s18 =	sadd.s32 $0x4800, s2;
	[dreg:$0x16] =	wrdreg s17  }
0x17: {  	s28 =	simm.s32 $0x5;
	s19 =	sadd.s32 $0x5400, s2;
	[dreg:$0x17] =	wrdreg s18  }
0x18: {  	s30 =	simm.s32 $0x2;
	s20 =	sadd.s32 $0x6000, s2;
	[dreg:$0x18] =	wrdreg s19  }
0x19: {  	p0 =	sgt.u32 s12, $0x1;
	s21 =	sadd.s32 $0x6C00, s2;
	[dreg:$0x19] =	wrdreg s20  }
0x1a: {  	s5 =	simm.s32 $0x4;
	s22 =	sadd.s32 $0x7800, s2;
	[dreg:$0x1a] =	wrdreg s21  }
0x1b: {  	v0 =	vmov s7;
	s7 =	simm.s32 $0x0;
	s23 =	sadd.s32 $0x8400, s2;
	[dreg:$0x8] =	wrdreg s22  }
0x1c: {  	s4 =	simm.s32 $0x3;
	s24 =	sadd.s32 $0x9000, s2;
	[dreg:$0x9] =	wrdreg s23  }
0x1d: {  	s9 =	sadd.s32 $0x100, s1;
	s31 =	sadd.s32 $0xB400, s2;
	[dreg:$0xa] =	wrdreg s24  }
0x1e: {  	v1 =	vlaneseq.u32;
	s10 =	sadd.s32 $0x200, s1;
	s25 =	sadd.s32 $0x9C00, s2;
	[dreg:$0xe] =	wrdreg s31  }
0x1f: {  	v2 =	vimm.s32 $0x0;
	vm0 =	vmmov $0xffff;
	v4 =	vshrl.u32 v1, $0x3;
	s0 =	simm.s32 $0x2080;
	s29 =	sadd.s32 $0xA800, s2;
	[dreg:$0xb] =	wrdreg s25  }
0x20: {  	v3 =	vand.u32 $0x7, v1;
	v5 =	vor.u32 $0x8, v1;
	v4 =	vmul.u32 $0x8, v4;
	s15 =	simm.s32 $0x1;
	[dreg:$0xd] =	wrdreg s29;
	s16 =	simm.s32 $0x5480  }
.LBB2_1:
.Ltmp0:
0x21: {  	(pc) =	sbr.rel @p0 .LBB2_13-.Ltmp0, $2  }
0x22: {  	_ =	sdelay $0x2  }
0x23: {  	[dreg:$0xf] =	wrdreg s7  }
0x24: {  	s2 =	simm.s32 $0x0  }
0x25: {  	s7 =	rddreg [dreg:$0x5];
	s11 =	simm.s32 $0x80;
	s12 =	simm.s32 $0x200  }
0x26: {  	[tilespmem:s2], [sflag:$0x5] =	stream.strided.gather [hbm4b:s7+s11], $0x2000, s12, s11, $0x38;
	[tilespmem:$0x11480] =	vst v63  }
0x27: {  	_ =	swait.ge [sflag:s28], $0x2000  }
0x28: {  	[sflag:s28] =	ssyncset.done $0x0  }
0x29: {  	s31 =	simm.s32 $0x2000;
	s29 =	rddreg [dreg:$0x6];
	[sflag:s28] =	ssyncadd.s32 $0xFFFFE000  }
0x2a: {  	[tilespmem:s31], [sflag:$0x5] =	stream.linear.gather [hbm4b:s29+s2], $0x80, $0x38;
	[tilespmem:$0x11480] =	vst v63  }
0x2b: {  	_ =	swait.ge [sflag:s28], $0x80  }
0x2c: {  	[sflag:s28] =	ssyncset.done $0x0  }
0x2d: {  	[sflag:s28] =	ssyncadd.s32 $0xFFFFFF80  }
0x2e: {  	v8 =	vld [tilespmem:s2+$0x0]  }
0x2f: {  	v7 =	vld [tilespmem:$0x2000];
	_ =	sdelay $0x3  }
0x30: {  	v9 =	vshra.s32 v8, $0x1F  }
0x31: {  	v6 =	vbroadcast v7, $0x0;
	v9 =	vor.u32 $0x80000000, v9  }
0x32: {  	v8 =	vxor.u32 v8, v9  }
0x33: {  	vm1 =	vge.u32 v8, v6  }
0x34: {  	v8 =	vsel vm1, $0x1, v2  }
0x35: {  	(xrf0) =	vadd.scan.msk.s32 $0xffff, v8;
	_ =	sdelay $0x2  }
0x36: {  	v8 =	vmov s2  }
0x37: {  	v8 =	vadd.s32 $0xFFFFFFFF, v8  }
0x38: {  	v8 =	vbroadcast v8, $0x0  }
0x39: {  	v9, _, _ =	vpop (xrf0)  }
0x3a: {  	v8 =	vadd.s32 v9, v8;
	(v2sf) =	vpush v9, $0xF;
	_ =	sdelay $0x3  }
0x3b: {  	v10 =	vor.u32 s2, v1  }
0x3c: {  	s7 =	simm.s32 $0x10;
	[tilespmem:v8+s0+$0x0] =	vst.idx.msk vm1, v10  }
0x3d: {  	s11 =	simm.s32 $0x20;
	s12 =	simm.s32 $0x10;
	v8 =	vld [tilespmem:s7+$0x0]  }
.LBB2_3:
0x3e: {  	p1 =	sne.s32 s11, $0x1FF0;
	_ =	sdelay $0x3  }
0x3f: {  	v9 =	vshra.s32 v8, $0x1F  }
0x40: {  	v9 =	vor.u32 $0x80000000, v9  }
0x41: {  	v8 =	vxor.u32 v8, v9  }
0x42: {  	vm1 =	vge.u32 v8, v6  }
0x43: {  	v8 =	vsel vm1, $0x1, v2;
	s13 =	spop (v2sf)  }
0x44: {  	(xrf0) =	vadd.scan.msk.s32 $0xffff, v8;
	s2 =	sadd.s32 s2, s13  }
0x45: {  	v8 =	vmov s2  }
0x46: {  	v8 =	vadd.s32 $0xFFFFFFFF, v8  }
0x47: {  	v8 =	vbroadcast v8, $0x0;
	_ =	sdelay $0x2  }
0x48: {  	v9, _, _ =	vpop (xrf0)  }
0x49: {  	v8 =	vadd.s32 v9, v8;
	(v2sf) =	vpush v9, $0xF;
	_ =	sdelay $0x1  }
.Ltmp1:
0x4a: {  	(pc) =	sbr.rel @p1 .LBB2_3-.Ltmp1, $4  }
0x4b: {  	_ = 	snop  }
0x4c: {  	v9 =	vor.u32 s7, v1;
	s7 =	smov.u32 s11  }
0x4d: {  	s12 =	sadd.s32 $0x10, s12;
	[tilespmem:v8+s0+$0x0] =	vst.idx.msk vm1, v9  }
0x4e: {  	s11 =	sadd.s32 $0x10, s11;
	v8 =	vld [tilespmem:s12+$0x0]  }
0x4f: {  	_ =	sdelay $0x3  }
0x50: {  	v9 =	vshra.s32 v8, $0x1F  }
0x51: {  	v9 =	vor.u32 $0x80000000, v9  }
0x52: {  	v8 =	vxor.u32 v8, v9  }
0x53: {  	vm1 =	vge.u32 v8, v6  }
0x54: {  	v8 =	vsel vm1, $0x1, v2  }
0x55: {  	(xrf0) =	vadd.scan.msk.s32 $0xffff, v8;
	_ =	sdelay $0x5  }
0x56: {  	v8, _, _ =	vpop (xrf0)  }
0x57: {  	(v2sf) =	vpush v8, $0xF;
	_ =	sdelay $0xd  }
0x58: {  	s11 =	spop (v2sf)  }
0x59: {  	s11 =	sadd.s32 s2, s11;
	s31 =	spop (v2sf)  }
0x5a: {  	s2 =	sadd.s32 s11, s31  }
0x5b: {  	p1 =	slt.s32 s2, $0x1001  }
0x5c: {  	s12 =	sadd.s32 @!p1 $0xF, s2  }
0x5d: {  	v62 =	vmov s11;
	s11 =	sand.u32 @!p1 $0xF, s12  }
0x5e: {  	p2 =	slt.s32 @!p1 s12, $0x0;
	p3 =	sne.s32 @!p1 s11, $0x0  }
0x5f: {  	s11 =	sshra.s32 @!p1 s12, $0x1F;
	p2 =	por @!p1 !p2, !p3  }
0x60: {  	s11 =	sshrl.u32 @!p1 s11, $0x1C;
	p2 =	por @!p1 !p2, !p2  }
0x61: {  	s11 =	sadd.s32 @!p1 s11, s12;
	s12 =	simm.s32 @!p1 $0x1;
	p2 =	por !p2, p1  }
0x62: {  	v9 =	vadd.s32 $0xFFFFFFFF, v62;
	s11 =	sshra.s32 @!p1 s11, $0x4;
	s12 =	simm.s32 @p2 $0x0  }
0x63: {  	v9 =	vbroadcast v9, $0x0;
	s11 =	ssub.s32 @!p1 s11, s12  }
0x64: {  	p2 =	slt.s32 @!p1 s11, $0x1  }
0x65: {  	v8 =	vadd.s32 v8, v9;
	p2 =	por p1, p2  }
.Ltmp2:
0x66: {  	_ = 	snop;
	(pc) =	sbr.rel @p2 .LBB2_5-.Ltmp2, $3  }
0x67: {  	_ =	sdelay $0x1  }
0x68: {  	v63 =	vor.u32 s7, v1  }
0x69: {  	[tilespmem:v8+s0+$0x0] =	vst.idx.msk vm1, v63  }
0x6a: {  	p2 =	sne.s32 s11, $0x1  }
.Ltmp3:
0x6b: {  	_ = 	snop;
	(pc) =	sbr.rel @!p2 .LBB2_7-.Ltmp3, $3  }
0x6c: {  	_ =	sdelay $0x1  }
0x6d: {  	s7 =	simm.s32 $0x2080  }
0x6e: {  	v9 =	vmov s2;
	v8 =	vbroadcast v7, $0x1;
	s2 =	simm.s32 $0x0;
	p1 =	por $0x0, $0x0;
	v7 =	vld [tilespmem:s7+$0x0];
	s7 =	sadd.s32 $0xFFFFFFFF, s11  }
0x6f: {  	_ = 	snop  }
0x70: {  	v10 =	vor.u32 s2, v1  }
0x71: {  	vm1 =	vlt.s32 v10, v9;
	_ =	sdelay $0x5  }
0x72: {  	v10 =	vld.idx.msk [tilespmem:v7+s3+$0x0], vm1;
	_ =	sdelay $0x4  }
0x73: {  	v11 =	vshra.s32 v10, $0x1F  }
0x74: {  	v11 =	vor.u32 $0x80000000, v11  }
0x75: {  	v10 =	vxor.u32 v10, v11  }
0x76: {  	vm2 =	veq.s32 v10, v6  }
0x77: {  	vm2 =	vmand vm1, vm2  }
0x78: {  	v10 =	vsel vm2, $0x1, v2  }
0x79: {  	(xrf0) =	vadd.scan.msk.s32 $0xffff, v10;
	_ =	sdelay $0x5  }
0x7a: {  	v10, _, _ =	vpop (xrf0)  }
0x7b: {  	(v2sf) =	vpush v10, $0xF;
	_ =	sdelay $0x2  }
0x7c: {  	v11 =	vadd.s32 s2, v10  }
0x7d: {  	vm3 =	vgt.s32 v11, v8  }
0x7e: {  	vm2 =	vmand vm2, vm3  }
0x7f: {  	vm1 =	vmxor vm1, vm2  }
0x80: {  	v10 =	vsel vm1, $0x1, v2  }
0x81: {  	(xrf0) =	vadd.scan.msk.s32 $0xffff, v10;
	_ =	sdelay $0x2  }
0x82: {  	v10 =	vmov s2  }
0x83: {  	v10 =	vadd.s32 $0xFFFFFFFF, v10  }
0x84: {  	v10 =	vbroadcast v10, $0x0  }
0x85: {  	v11, _, _ =	vpop (xrf0)  }
0x86: {  	v10 =	vadd.s32 v11, v10;
	s11 =	spop (v2sf);
	(v2sf) =	vpush v11, $0xF  }
0x87: {  	p2 =	sne.s32 s7, $0x1  }
.Ltmp4:
0x88: {  	_ = 	snop;
	(pc) =	sbr.rel @!p2 .LBB2_9-.Ltmp4, $4  }
0x89: {  	_ = 	snop  }
0x8a: {  	s28 =	simm.s32 $0x4080  }
0x8b: {  	s13 =	simm.s32 $0x2090;
	s29 =	sadd.s32 $0xFFFFFFFF, s7;
	s12 =	simm.s32 $0x10;
	[tilespmem:v10+s28+$0x0] =	vst.idx.msk vm1, v7  }
0x8c: {  	p1 =	por $0x1, $0x1;
	s7 =	simm.s32 $0x0;
	s11 =	sadd.s32 $0x0, s11;
	v7 =	vld [tilespmem:s13+$0x0]  }
.LBB2_10:
0x8d: {  	p2 =	sne.s32 s29, $0x1;
	v10 =	vor.u32 s12, v1  }
0x8e: {  	vm1 =	vlt.s32 v10, v9;
	_ =	sdelay $0x5  }
0x8f: {  	v10 =	vld.idx.msk [tilespmem:v7+s3+$0x0], vm1  }
0x90: {  	s14 =	spop (v2sf)  }
0x91: {  	s7 =	sadd.s32 s7, s14  }
0x92: {  	v11 =	vmov s7  }
0x93: {  	v11 =	vadd.s32 $0xFFFFFFFF, v11  }
0x94: {  	v11 =	vbroadcast v11, $0x0  }
0x95: {  	v12 =	vshra.s32 v10, $0x1F  }
0x96: {  	v12 =	vor.u32 $0x80000000, v12  }
0x97: {  	v10 =	vxor.u32 v10, v12  }
0x98: {  	vm2 =	veq.s32 v10, v6  }
0x99: {  	vm2 =	vmand vm1, vm2  }
0x9a: {  	v10 =	vsel vm2, $0x1, v2  }
0x9b: {  	(xrf0) =	vadd.scan.msk.s32 $0xffff, v10;
	_ =	sdelay $0x5  }
0x9c: {  	v10, _, _ =	vpop (xrf0)  }
0x9d: {  	v12 =	vadd.s32 s11, v10;
	(v2sf) =	vpush v10, $0xF  }
0x9e: {  	vm3 =	vgt.s32 v12, v8  }
0x9f: {  	vm2 =	vmand vm2, vm3  }
0xa0: {  	vm1 =	vmxor vm1, vm2  }
0xa1: {  	v10 =	vsel vm1, $0x1, v2  }
0xa2: {  	(xrf0) =	vadd.scan.msk.s32 $0xffff, v10;
	_ =	sdelay $0x5  }
0xa3: {  	v10, _, _ =	vpop (xrf0)  }
0xa4: {  	v11 =	vadd.s32 v10, v11;
	(v2sf) =	vpush v10, $0xF;
	_ =	sdelay $0x1  }
.Ltmp5:
0xa5: {  	(pc) =	sbr.rel @p2 .LBB2_10-.Ltmp5, $4  }
0xa6: {  	s14 =	spop (v2sf)  }
0xa7: {  	s11 =	sadd.s32 s11, s14  }
0xa8: {  	s13 =	sadd.s32 $0x10, s13;
	[tilespmem:v11+s28+$0x0] =	vst.idx.msk vm1, v7  }
0xa9: {  	s29 =	sadd.s32 $0xFFFFFFFF, s29;
	s12 =	sadd.s32 $0x10, s12;
	v7 =	vld [tilespmem:s13+$0x0]  }
.LBB2_11:
0xaa: {  	_ = 	snop  }
0xab: {  	v10 =	vor.u32 s12, v1  }
0xac: {  	vm1 =	vlt.s32 v10, v9;
	_ =	sdelay $0x5  }
0xad: {  	v9 =	vld.idx.msk [tilespmem:v7+s3+$0x0], vm1;
	_ =	sdelay $0x4  }
0xae: {  	v60 =	vshra.s32 v9, $0x1F  }
0xaf: {  	v10 =	vor.u32 $0x80000000, v60  }
0xb0: {  	v9 =	vxor.u32 v9, v10  }
0xb1: {  	vm2 =	veq.s32 v9, v6  }
0xb2: {  	vm2 =	vmand vm1, vm2  }
0xb3: {  	v6 =	vsel vm2, $0x1, v2  }
0xb4: {  	(xrf0) =	vadd.scan.msk.s32 $0xffff, v6;
	_ =	sdelay $0x5  }
0xb5: {  	v6, _, _ =	vpop (xrf0)  }
0xb6: {  	v61 =	vadd.s32 s11, v6  }
0xb7: {  	vm3 =	vgt.s32 v61, v8  }
0xb8: {  	vm2 =	vmand vm2, vm3  }
0xb9: {  	vm1 =	vmxor vm1, vm2  }
0xba: {  	v62 =	vsel vm1, $0x1, v2  }
0xbb: {  	(xrf0) =	vadd.scan.msk.s32 $0xffff, v62;
	_ =	sdelay $0x5  }
0xbc: {  	(v2sf) =	vpush v6, $0xF;
	v6, _, _ =	vpop (xrf0)  }
0xbd: {  	(v2sf) =	vpush v6, $0xF;
	_ =	sdelay $0x2  }
0xbe: {  	s11 =	spop @p1 (v2sf)  }
0xbf: {  	s7 =	sadd.s32 @p1 s7, s11  }
0xc0: {  	s2 =	smov.u32 @p1 s7  }
0xc1: {  	v63 =	vmov s2  }
0xc2: {  	v8 =	vadd.s32 $0xFFFFFFFF, v63  }
0xc3: {  	v8 =	vbroadcast v8, $0x0;
	_ =	sdelay $0x1  }
0xc4: {  	v6 =	vadd.s32 v6, v8  }
.Ltmp6:
0xc5: {  	_ = 	snop;
	(pc) =	sbr.rel .LBB2_12-.Ltmp6, $3  }
0xc6: {  	_ =	sdelay $0x1  }
0xc7: {  	s2 =	simm.s32 $0x4080;
	s29 =	spop (v2sf)  }
0xc8: {  	[tilespmem:v6+s2+$0x0] =	vst.idx.msk vm1, v7;
	s31 =	spop (v2sf)  }
.LBB2_5:
0xc9: {  	s2 =	simm.s32 @!p1 $0x4080  }
0xca: {  	s2 =	simm.s32 @p1 $0x2080  }
.LBB2_12:
0xcb: {  	s7 =	rddreg [dreg:$0x7]  }
0xcc: {  	s11 =	simm.s32 $0x80;
	s14 =	simm.s32 $0x200;
	s28 =	simm.s32 $0x5  }
0xcd: {  	[hbm4b:s7+s11] =	stream.strided.scatter [tilespmem:s2], [sflag:$0x5], $0x1000, s14, s11, $0x38;
	[tilespmem:$0x11480] =	vst v63  }
0xce: {  	_ =	swait.ge [sflag:s28], $0x1000  }
0xcf: {  	[sflag:s28] =	ssyncset.done $0x0  }
0xd0: {  	[sflag:s28] =	ssyncadd.s32 $0xFFFFF000  }
.LBB2_13:
0xd1: {  	[bflag:$0x0] =	sbarrier.arrive $0xFFFF;
	s2 =	simm.s32 $0x80  }
0xd2: {  	s7 =	simm.s32 $0x200;
	s11 =	simm.s32 $0x5080;
	s8 =	rddreg [dreg:$0x10]  }
0xd3: {  	[tilespmem:s11], [sflag:$0x5] =	stream.strided.gather [hbm4b:s8+s2], $0x200, s7, s2, $0x38;
	[tilespmem:$0x11480] =	vst v63  }
0xd4: {  	_ =	swait.ge [sflag:s28], $0x200  }
0xd5: {  	[sflag:s28] =	ssyncset.done $0x0  }
0xd6: {  	s2 =	simm.s32 $0x0;
	[sflag:s28] =	ssyncadd.s32 $0xFFFFFE00  }
0xd7: {  	s7 =	simm.s32 $0x40;
	v6 =	vld [tilespmem:s2+$0x5080]  }
.LBB2_14:
0xd8: {  	p1 =	sne.s32 s7, $0x7C0  }
.Ltmp7:
0xd9: {  	_ = 	snop;
	(pc) =	sbr.rel @p1 .LBB2_14-.Ltmp7, $3  }
0xda: {  	_ =	sdelay $0x1  }
0xdb: {  	s11 =	sshra.s32 s7, $0x2;
	s7 =	sadd.s32 $0x40, s7;
	v7 =	vadd.s32 v0, v6  }
0xdc: {  	v6 =	vld [tilespmem:s11+$0x5080];
	[tilespmem:s2+$0x5280] =	vst v7;
	s2 =	smov.u32 s11  }
0xdd: {  	_ =	sdelay $0x3  }
0xde: {  	v6 =	vadd.s32 v0, v6  }
0xdf: {  	[tilespmem:s2+$0x5280] =	vst v6  }
0xe0: {  	v6 =	vld [tilespmem:$0x5280];
	_ =	sdelay $0x4  }
0xe1: {  	v7 =	vshrl.u32 v6, $0x3  }
0xe2: {  	v7 =	vmul.u32 $0x30, v7  }
0xe3: {  	v6 =	vand.u32 $0x7, v6  }
0xe4: {  	v6 =	vor.u32 v6, v7  }
0xe5: {  	v7 =	vperm.xlane v6, v3;
	_ =	sdelay $0x1  }
0xe6: {  	v7 =	vadd.s32 v4, v7;
	_ =	sdelay $0x3  }
0xe7: {  	v6 =	vperm.xlane v6, v5  }
0xe8: {  	[tilespmem:s16], [sflag:$0x1] =	stream.indirect_vreg.gather [hbm4b:s1+s3], $0x80, v7, vm0, $0xb8;
	[tilespmem:$0x11480] =	vst v63  }
0xe9: {  	s14 =	simm.s32 $0x5C80;
	v6 =	vadd.s32 v4, v6  }
0xea: {  	[tilespmem:s14], [sflag:$0x1] =	stream.indirect_vreg.gather [hbm4b:s9+s3], $0x80, v7, vm0, $0xb8;
	[tilespmem:$0x11480] =	vst v63  }
0xeb: {  	s17 =	simm.s32 $0x6480  }
0xec: {  	[tilespmem:s17], [sflag:$0x1] =	stream.indirect_vreg.gather [hbm4b:s10+s3], $0x80, v7, vm0, $0xb8;
	[tilespmem:$0x11480] =	vst v63  }
0xed: {  	s18 =	simm.s32 $0x6C80  }
0xee: {  	[tilespmem:s18], [sflag:$0x1] =	stream.indirect_vreg.gather [hbm4b:s1+s3], $0x80, v6, vm0, $0xb8;
	[tilespmem:$0x11480] =	vst v63  }
0xef: {  	s19 =	simm.s32 $0x7480  }
0xf0: {  	[tilespmem:s19], [sflag:$0x1] =	stream.indirect_vreg.gather [hbm4b:s9+s3], $0x80, v6, vm0, $0xb8;
	[tilespmem:$0x11480] =	vst v63  }
0xf1: {  	s21 =	simm.s32 $0x7C80  }
0xf2: {  	[tilespmem:s21], [sflag:$0x1] =	stream.indirect_vreg.gather [hbm4b:s10+s3], $0x80, v6, vm0, $0xb8;
	[tilespmem:$0x11480] =	vst v63  }
0xf3: {  	v6 =	vld [tilespmem:$0x5290];
	_ =	sdelay $0x4  }
0xf4: {  	v7 =	vshrl.u32 v6, $0x3  }
0xf5: {  	v7 =	vmul.u32 $0x30, v7  }
0xf6: {  	v6 =	vand.u32 $0x7, v6  }
0xf7: {  	v6 =	vor.u32 v6, v7  }
0xf8: {  	v7 =	vperm.xlane v6, v3;
	_ =	sdelay $0x1  }
0xf9: {  	v7 =	vadd.s32 v4, v7;
	_ =	sdelay $0x3  }
0xfa: {  	s22 =	simm.s32 $0x8480;
	v6 =	vperm.xlane v6, v5  }
0xfb: {  	[tilespmem:s22], [sflag:$0x1] =	stream.indirect_vreg.gather [hbm4b:s1+s3], $0x80, v7, vm0, $0xb8;
	[tilespmem:$0x11480] =	vst v63  }
0xfc: {  	s23 =	simm.s32 $0x8C80;
	v6 =	vadd.s32 v4, v6  }
0xfd: {  	[tilespmem:s23], [sflag:$0x1] =	stream.indirect_vreg.gather [hbm4b:s9+s3], $0x80, v7, vm0, $0xb8;
	[tilespmem:$0x11480] =	vst v63  }
0xfe: {  	s24 =	simm.s32 $0x9480  }
0xff: {  	[tilespmem:s24], [sflag:$0x1] =	stream.indirect_vreg.gather [hbm4b:s10+s3], $0x80, v7, vm0, $0xb8;
	[tilespmem:$0x11480] =	vst v63  }
0x100: {  	s25 =	simm.s32 $0x9C80  }
0x101: {  	[tilespmem:s25], [sflag:$0x1] =	stream.indirect_vreg.gather [hbm4b:s1+s3], $0x80, v6, vm0, $0xb8;
	[tilespmem:$0x11480] =	vst v63  }
0x102: {  	s26 =	simm.s32 $0xA480  }
0x103: {  	[tilespmem:s26], [sflag:$0x1] =	stream.indirect_vreg.gather [hbm4b:s9+s3], $0x80, v6, vm0, $0xb8;
	[tilespmem:$0x11480] =	vst v63  }
0x104: {  	s29 =	simm.s32 $0xAC80  }
0x105: {  	[tilespmem:s29], [sflag:$0x1] =	stream.indirect_vreg.gather [hbm4b:s10+s3], $0x80, v6, vm0, $0xb8;
	[tilespmem:$0x11480] =	vst v63  }
0x106: {  	_ =	swait.ge [sflag:s15], $0x6000  }
0x107: {  	[sflag:s15] =	ssyncset.done $0x0  }
0x108: {  	[sflag:s15] =	ssyncadd.s32 $0xFFFFA000  }
0x109: {  	v6 =	vld [tilespmem:$0x52A0];
	_ =	sdelay $0x4  }
0x10a: {  	v7 =	vshrl.u32 v6, $0x3  }
0x10b: {  	v7 =	vmul.u32 $0x30, v7  }
0x10c: {  	v6 =	vand.u32 $0x7, v6  }
0x10d: {  	v6 =	vor.u32 v6, v7  }
0x10e: {  	v7 =	vperm.xlane v6, v3;
	_ =	sdelay $0x1  }
0x10f: {  	v7 =	vadd.s32 v4, v7;
	_ =	sdelay $0x3  }
0x110: {  	s14 =	simm.s32 $0xB480;
	v6 =	vperm.xlane v6, v5  }
0x111: {  	[tilespmem:s14], [sflag:$0x2] =	stream.indirect_vreg.gather [hbm4b:s1+s3], $0x80, v7, vm0, $0xb8;
	[tilespmem:$0x11480] =	vst v63  }
0x112: {  	s6 =	simm.s32 $0xBC80;
	v6 =	vadd.s32 v4, v6  }
0x113: {  	[tilespmem:s6], [sflag:$0x2] =	stream.indirect_vreg.gather [hbm4b:s9+s3], $0x80, v7, vm0, $0xb8;
	[tilespmem:$0x11480] =	vst v63  }
0x114: {  	s8 =	simm.s32 $0xC480  }
0x115: {  	[tilespmem:s8], [sflag:$0x2] =	stream.indirect_vreg.gather [hbm4b:s10+s3], $0x80, v7, vm0, $0xb8;
	[tilespmem:$0x11480] =	vst v63  }
0x116: {  	s7 =	simm.s32 $0xCC80  }
0x117: {  	[tilespmem:s7], [sflag:$0x2] =	stream.indirect_vreg.gather [hbm4b:s1+s3], $0x80, v6, vm0, $0xb8;
	[tilespmem:$0x11480] =	vst v63  }
0x118: {  	s31 =	simm.s32 $0xD480  }
0x119: {  	[tilespmem:s31], [sflag:$0x2] =	stream.indirect_vreg.gather [hbm4b:s9+s3], $0x80, v6, vm0, $0xb8;
	[tilespmem:$0x11480] =	vst v63  }
0x11a: {  	s6 =	simm.s32 $0xDC80  }
0x11b: {  	[tilespmem:s6], [sflag:$0x2] =	stream.indirect_vreg.gather [hbm4b:s10+s3], $0x80, v6, vm0, $0xb8;
	[tilespmem:$0x11480] =	vst v63  }
0x11c: {  	v6 =	vld [tilespmem:$0x52B0];
	_ =	sdelay $0x4  }
0x11d: {  	v7 =	vshrl.u32 v6, $0x3  }
0x11e: {  	v7 =	vmul.u32 $0x30, v7  }
0x11f: {  	v6 =	vand.u32 $0x7, v6  }
0x120: {  	v6 =	vor.u32 v6, v7  }
0x121: {  	v7 =	vperm.xlane v6, v3;
	_ =	sdelay $0x1  }
0x122: {  	v7 =	vadd.s32 v4, v7;
	_ =	sdelay $0x3  }
0x123: {  	s7 =	simm.s32 $0xE480;
	v6 =	vperm.xlane v6, v5  }
0x124: {  	[tilespmem:s7], [sflag:$0x2] =	stream.indirect_vreg.gather [hbm4b:s1+s3], $0x80, v7, vm0, $0xb8;
	[tilespmem:$0x11480] =	vst v63  }
0x125: {  	s12 =	simm.s32 $0xEC80;
	v6 =	vadd.s32 v4, v6  }
0x126: {  	[tilespmem:s12], [sflag:$0x2] =	stream.indirect_vreg.gather [hbm4b:s9+s3], $0x80, v7, vm0, $0xb8;
	[tilespmem:$0x11480] =	vst v63  }
0x127: {  	s13 =	simm.s32 $0xF480  }
0x128: {  	[tilespmem:s13], [sflag:$0x2] =	stream.indirect_vreg.gather [hbm4b:s10+s3], $0x80, v7, vm0, $0xb8;
	[tilespmem:$0x11480] =	vst v63  }
0x129: {  	s19 =	simm.s32 $0xFC80  }
0x12a: {  	[tilespmem:s19], [sflag:$0x2] =	stream.indirect_vreg.gather [hbm4b:s1+s3], $0x80, v6, vm0, $0xb8;
	[tilespmem:$0x11480] =	vst v63  }
0x12b: {  	s23 =	simm.s32 $0x10480  }
0x12c: {  	[tilespmem:s23], [sflag:$0x2] =	stream.indirect_vreg.gather [hbm4b:s9+s3], $0x80, v6, vm0, $0xb8;
	[tilespmem:$0x11480] =	vst v63  }
0x12d: {  	s24 =	simm.s32 $0x10C80  }
0x12e: {  	[tilespmem:s24], [sflag:$0x2] =	stream.indirect_vreg.gather [hbm4b:s10+s3], $0x80, v6, vm0, $0xb8;
	[tilespmem:$0x11480] =	vst v63  }
0x12f: {  	s25 =	rddreg [dreg:$0x11]  }
0x130: {  	[hbm4b:s25+s3] =	stream.linear.scatter [tilespmem:s16], [sflag:$0x3], $0x6000, $0x38;
	[tilespmem:$0x11480] =	vst v63  }
0x131: {  	_ =	swait.ge [sflag:s30], $0x6000  }
0x132: {  	[sflag:s30] =	ssyncset.done $0x0  }
0x133: {  	[sflag:s30] =	ssyncadd.s32 $0xFFFFA000  }
0x134: {  	_ =	swait.ge [sflag:s4], $0x6000  }
0x135: {  	[sflag:s4] =	ssyncset.done $0x0  }
0x136: {  	[sflag:s4] =	ssyncadd.s32 $0xFFFFA000  }
0x137: {  	v6 =	vld [tilespmem:$0x52C0];
	_ =	sdelay $0x4  }
0x138: {  	v7 =	vshrl.u32 v6, $0x3  }
0x139: {  	v7 =	vmul.u32 $0x30, v7  }
0x13a: {  	v6 =	vand.u32 $0x7, v6  }
0x13b: {  	v6 =	vor.u32 v6, v7  }
0x13c: {  	v7 =	vperm.xlane v6, v3;
	_ =	sdelay $0x1  }
0x13d: {  	v7 =	vadd.s32 v4, v7;
	_ =	sdelay $0x3  }
0x13e: {  	v6 =	vperm.xlane v6, v5  }
0x13f: {  	[tilespmem:s16], [sflag:$0x1] =	stream.indirect_vreg.gather [hbm4b:s1+s3], $0x80, v7, vm0, $0xb8;
	[tilespmem:$0x11480] =	vst v63  }
0x140: {  	s13 =	simm.s32 $0x5C80;
	v6 =	vadd.s32 v4, v6  }
0x141: {  	[tilespmem:s13], [sflag:$0x1] =	stream.indirect_vreg.gather [hbm4b:s9+s3], $0x80, v7, vm0, $0xb8;
	[tilespmem:$0x11480] =	vst v63  }
0x142: {  	s20 =	simm.s32 $0x6480  }
0x143: {  	[tilespmem:s20], [sflag:$0x1] =	stream.indirect_vreg.gather [hbm4b:s10+s3], $0x80, v7, vm0, $0xb8;
	[tilespmem:$0x11480] =	vst v63  }
0x144: {  	s11 =	simm.s32 $0x6C80  }
0x145: {  	[tilespmem:s11], [sflag:$0x1] =	stream.indirect_vreg.gather [hbm4b:s1+s3], $0x80, v6, vm0, $0xb8;
	[tilespmem:$0x11480] =	vst v63  }
0x146: {  	s20 =	simm.s32 $0x7480  }
0x147: {  	[tilespmem:s20], [sflag:$0x1] =	stream.indirect_vreg.gather [hbm4b:s9+s3], $0x80, v6, vm0, $0xb8;
	[tilespmem:$0x11480] =	vst v63  }
0x148: {  	s21 =	simm.s32 $0x7C80  }
0x149: {  	[tilespmem:s21], [sflag:$0x1] =	stream.indirect_vreg.gather [hbm4b:s10+s3], $0x80, v6, vm0, $0xb8;
	[tilespmem:$0x11480] =	vst v63  }
0x14a: {  	v6 =	vld [tilespmem:$0x52D0];
	_ =	sdelay $0x4  }
0x14b: {  	v7 =	vshrl.u32 v6, $0x3  }
0x14c: {  	v7 =	vmul.u32 $0x30, v7  }
0x14d: {  	v6 =	vand.u32 $0x7, v6  }
0x14e: {  	v6 =	vor.u32 v6, v7  }
0x14f: {  	v7 =	vperm.xlane v6, v3;
	_ =	sdelay $0x1  }
0x150: {  	v7 =	vadd.s32 v4, v7;
	_ =	sdelay $0x3  }
0x151: {  	s22 =	simm.s32 $0x8480;
	v6 =	vperm.xlane v6, v5  }
0x152: {  	[tilespmem:s22], [sflag:$0x1] =	stream.indirect_vreg.gather [hbm4b:s1+s3], $0x80, v7, vm0, $0xb8;
	[tilespmem:$0x11480] =	vst v63  }
0x153: {  	s21 =	simm.s32 $0x8C80;
	v6 =	vadd.s32 v4, v6  }
0x154: {  	[tilespmem:s21], [sflag:$0x1] =	stream.indirect_vreg.gather [hbm4b:s9+s3], $0x80, v7, vm0, $0xb8;
	[tilespmem:$0x11480] =	vst v63  }
0x155: {  	s22 =	simm.s32 $0x9480  }
0x156: {  	[tilespmem:s22], [sflag:$0x1] =	stream.indirect_vreg.gather [hbm4b:s10+s3], $0x80, v7, vm0, $0xb8;
	[tilespmem:$0x11480] =	vst v63  }
0x157: {  	s23 =	simm.s32 $0x9C80  }
0x158: {  	[tilespmem:s23], [sflag:$0x1] =	stream.indirect_vreg.gather [hbm4b:s1+s3], $0x80, v6, vm0, $0xb8;
	[tilespmem:$0x11480] =	vst v63  }
0x159: {  	s24 =	simm.s32 $0xA480  }
0x15a: {  	[tilespmem:s24], [sflag:$0x1] =	stream.indirect_vreg.gather [hbm4b:s9+s3], $0x80, v6, vm0, $0xb8;
	[tilespmem:$0x11480] =	vst v63  }
0x15b: {  	s25 =	simm.s32 $0xAC80  }
0x15c: {  	[tilespmem:s25], [sflag:$0x1] =	stream.indirect_vreg.gather [hbm4b:s10+s3], $0x80, v6, vm0, $0xb8;
	[tilespmem:$0x11480] =	vst v63  }
0x15d: {  	s29 =	rddreg [dreg:$0x12]  }
0x15e: {  	[hbm4b:s29+s3] =	stream.linear.scatter [tilespmem:s14], [sflag:$0x4], $0x6000, $0x38;
	[tilespmem:$0x11480] =	vst v63  }
0x15f: {  	_ =	swait.ge [sflag:s15], $0x6000  }
0x160: {  	[sflag:s15] =	ssyncset.done $0x0  }
0x161: {  	[sflag:s15] =	ssyncadd.s32 $0xFFFFA000  }
0x162: {  	_ =	swait.ge [sflag:s5], $0x6000  }
0x163: {  	[sflag:s5] =	ssyncset.done $0x0  }
0x164: {  	[sflag:s5] =	ssyncadd.s32 $0xFFFFA000  }
0x165: {  	v6 =	vld [tilespmem:$0x52E0];
	_ =	sdelay $0x4  }
0x166: {  	v7 =	vshrl.u32 v6, $0x3  }
0x167: {  	v7 =	vmul.u32 $0x30, v7  }
0x168: {  	v6 =	vand.u32 $0x7, v6  }
0x169: {  	v6 =	vor.u32 v6, v7  }
0x16a: {  	v7 =	vperm.xlane v6, v3;
	_ =	sdelay $0x1  }
0x16b: {  	v7 =	vadd.s32 v4, v7;
	_ =	sdelay $0x3  }
0x16c: {  	v6 =	vperm.xlane v6, v5  }
0x16d: {  	[tilespmem:s14], [sflag:$0x2] =	stream.indirect_vreg.gather [hbm4b:s1+s3], $0x80, v7, vm0, $0xb8;
	[tilespmem:$0x11480] =	vst v63  }
0x16e: {  	s2 =	simm.s32 $0xBC80;
	v6 =	vadd.s32 v4, v6  }
0x16f: {  	[tilespmem:s2], [sflag:$0x2] =	stream.indirect_vreg.gather [hbm4b:s9+s3], $0x80, v7, vm0, $0xb8;
	[tilespmem:$0x11480] =	vst v63  }
0x170: {  	s18 =	simm.s32 $0xC480  }
0x171: {  	[tilespmem:s18], [sflag:$0x2] =	stream.indirect_vreg.gather [hbm4b:s10+s3], $0x80, v7, vm0, $0xb8;
	[tilespmem:$0x11480] =	vst v63  }
0x172: {  	s2 =	simm.s32 $0xCC80  }
0x173: {  	[tilespmem:s2], [sflag:$0x2] =	stream.indirect_vreg.gather [hbm4b:s1+s3], $0x80, v6, vm0, $0xb8;
	[tilespmem:$0x11480] =	vst v63  }
0x174: {  	s26 =	simm.s32 $0xD480  }
0x175: {  	[tilespmem:s26], [sflag:$0x2] =	stream.indirect_vreg.gather [hbm4b:s9+s3], $0x80, v6, vm0, $0xb8;
	[tilespmem:$0x11480] =	vst v63  }
0x176: {  	s6 =	simm.s32 $0xDC80  }
0x177: {  	[tilespmem:s6], [sflag:$0x2] =	stream.indirect_vreg.gather [hbm4b:s10+s3], $0x80, v6, vm0, $0xb8;
	[tilespmem:$0x11480] =	vst v63  }
0x178: {  	v6 =	vld [tilespmem:$0x52F0];
	_ =	sdelay $0x4  }
0x179: {  	v7 =	vshrl.u32 v6, $0x3  }
0x17a: {  	v7 =	vmul.u32 $0x30, v7  }
0x17b: {  	v6 =	vand.u32 $0x7, v6  }
0x17c: {  	v6 =	vor.u32 v6, v7  }
0x17d: {  	v7 =	vperm.xlane v6, v3;
	_ =	sdelay $0x1  }
0x17e: {  	v7 =	vadd.s32 v4, v7;
	_ =	sdelay $0x3  }
0x17f: {  	s7 =	simm.s32 $0xE480;
	v6 =	vperm.xlane v6, v5  }
0x180: {  	[tilespmem:s7], [sflag:$0x2] =	stream.indirect_vreg.gather [hbm4b:s1+s3], $0x80, v7, vm0, $0xb8;
	[tilespmem:$0x11480] =	vst v63  }
0x181: {  	s17 =	simm.s32 $0xEC80;
	v6 =	vadd.s32 v4, v6  }
0x182: {  	[tilespmem:s17], [sflag:$0x2] =	stream.indirect_vreg.gather [hbm4b:s9+s3], $0x80, v7, vm0, $0xb8;
	[tilespmem:$0x11480] =	vst v63  }
0x183: {  	s8 =	simm.s32 $0xF480  }
0x184: {  	[tilespmem:s8], [sflag:$0x2] =	stream.indirect_vreg.gather [hbm4b:s10+s3], $0x80, v7, vm0, $0xb8;
	[tilespmem:$0x11480] =	vst v63  }
0x185: {  	s19 =	simm.s32 $0xFC80  }
0x186: {  	[tilespmem:s19], [sflag:$0x2] =	stream.indirect_vreg.gather [hbm4b:s1+s3], $0x80, v6, vm0, $0xb8;
	[tilespmem:$0x11480] =	vst v63  }
0x187: {  	s19 =	simm.s32 $0x10480  }
0x188: {  	[tilespmem:s19], [sflag:$0x2] =	stream.indirect_vreg.gather [hbm4b:s9+s3], $0x80, v6, vm0, $0xb8;
	[tilespmem:$0x11480] =	vst v63  }
0x189: {  	s8 =	simm.s32 $0x10C80  }
0x18a: {  	[tilespmem:s8], [sflag:$0x2] =	stream.indirect_vreg.gather [hbm4b:s10+s3], $0x80, v6, vm0, $0xb8;
	[tilespmem:$0x11480] =	vst v63  }
0x18b: {  	s8 =	rddreg [dreg:$0x13]  }
0x18c: {  	[hbm4b:s8+s3] =	stream.linear.scatter [tilespmem:s16], [sflag:$0x3], $0x6000, $0x38;
	[tilespmem:$0x11480] =	vst v63  }
0x18d: {  	_ =	swait.ge [sflag:s30], $0x6000  }
0x18e: {  	[sflag:s30] =	ssyncset.done $0x0  }
0x18f: {  	[sflag:s30] =	ssyncadd.s32 $0xFFFFA000  }
0x190: {  	_ =	swait.ge [sflag:s4], $0x6000  }
0x191: {  	[sflag:s4] =	ssyncset.done $0x0  }
0x192: {  	[sflag:s4] =	ssyncadd.s32 $0xFFFFA000  }
0x193: {  	v6 =	vld [tilespmem:$0x5300];
	_ =	sdelay $0x4  }
0x194: {  	v7 =	vshrl.u32 v6, $0x3  }
0x195: {  	v7 =	vmul.u32 $0x30, v7  }
0x196: {  	v6 =	vand.u32 $0x7, v6  }
0x197: {  	v6 =	vor.u32 v6, v7  }
0x198: {  	v7 =	vperm.xlane v6, v3;
	_ =	sdelay $0x1  }
0x199: {  	v7 =	vadd.s32 v4, v7;
	_ =	sdelay $0x3  }
0x19a: {  	v6 =	vperm.xlane v6, v5  }
0x19b: {  	[tilespmem:s16], [sflag:$0x1] =	stream.indirect_vreg.gather [hbm4b:s1+s3], $0x80, v7, vm0, $0xb8;
	[tilespmem:$0x11480] =	vst v63  }
0x19c: {  	v6 =	vadd.s32 v4, v6  }
0x19d: {  	[tilespmem:s13], [sflag:$0x1] =	stream.indirect_vreg.gather [hbm4b:s9+s3], $0x80, v7, vm0, $0xb8;
	[tilespmem:$0x11480] =	vst v63  }
0x19e: {  	s8 =	simm.s32 $0x6480  }
0x19f: {  	[tilespmem:s8], [sflag:$0x1] =	stream.indirect_vreg.gather [hbm4b:s10+s3], $0x80, v7, vm0, $0xb8;
	[tilespmem:$0x11480] =	vst v63  }
0x1a0: {  	s8 =	simm.s32 $0x6C80  }
0x1a1: {  	[tilespmem:s8], [sflag:$0x1] =	stream.indirect_vreg.gather [hbm4b:s1+s3], $0x80, v6, vm0, $0xb8;
	[tilespmem:$0x11480] =	vst v63  }
0x1a2: {  	_ = 	snop  }
0x1a3: {  	[tilespmem:s20], [sflag:$0x1] =	stream.indirect_vreg.gather [hbm4b:s9+s3], $0x80, v6, vm0, $0xb8;
	[tilespmem:$0x11480] =	vst v63  }
0x1a4: {  	s31 =	simm.s32 $0x7C80  }
0x1a5: {  	[tilespmem:s31], [sflag:$0x1] =	stream.indirect_vreg.gather [hbm4b:s10+s3], $0x80, v6, vm0, $0xb8;
	[tilespmem:$0x11480] =	vst v63  }
0x1a6: {  	v6 =	vld [tilespmem:$0x5310];
	_ =	sdelay $0x4  }
0x1a7: {  	v7 =	vshrl.u32 v6, $0x3  }
0x1a8: {  	v7 =	vmul.u32 $0x30, v7  }
0x1a9: {  	v6 =	vand.u32 $0x7, v6  }
0x1aa: {  	v6 =	vor.u32 v6, v7  }
0x1ab: {  	v7 =	vperm.xlane v6, v3;
	_ =	sdelay $0x1  }
0x1ac: {  	v7 =	vadd.s32 v4, v7;
	_ =	sdelay $0x3  }
0x1ad: {  	s31 =	simm.s32 $0x8480;
	v6 =	vperm.xlane v6, v5  }
0x1ae: {  	[tilespmem:s31], [sflag:$0x1] =	stream.indirect_vreg.gather [hbm4b:s1+s3], $0x80, v7, vm0, $0xb8;
	[tilespmem:$0x11480] =	vst v63  }
0x1af: {  	v6 =	vadd.s32 v4, v6  }
0x1b0: {  	[tilespmem:s21], [sflag:$0x1] =	stream.indirect_vreg.gather [hbm4b:s9+s3], $0x80, v7, vm0, $0xb8;
	[tilespmem:$0x11480] =	vst v63  }
0x1b1: {  	_ = 	snop  }
0x1b2: {  	[tilespmem:s22], [sflag:$0x1] =	stream.indirect_vreg.gather [hbm4b:s10+s3], $0x80, v7, vm0, $0xb8;
	[tilespmem:$0x11480] =	vst v63  }
0x1b3: {  	_ = 	snop  }
0x1b4: {  	[tilespmem:s23], [sflag:$0x1] =	stream.indirect_vreg.gather [hbm4b:s1+s3], $0x80, v6, vm0, $0xb8;
	[tilespmem:$0x11480] =	vst v63  }
0x1b5: {  	_ = 	snop  }
0x1b6: {  	[tilespmem:s24], [sflag:$0x1] =	stream.indirect_vreg.gather [hbm4b:s9+s3], $0x80, v6, vm0, $0xb8;
	[tilespmem:$0x11480] =	vst v63  }
0x1b7: {  	_ = 	snop  }
0x1b8: {  	[tilespmem:s25], [sflag:$0x1] =	stream.indirect_vreg.gather [hbm4b:s10+s3], $0x80, v6, vm0, $0xb8;
	[tilespmem:$0x11480] =	vst v63  }
0x1b9: {  	s31 =	rddreg [dreg:$0x14]  }
0x1ba: {  	[hbm4b:s31+s3] =	stream.linear.scatter [tilespmem:s14], [sflag:$0x4], $0x6000, $0x38;
	[tilespmem:$0x11480] =	vst v63  }
0x1bb: {  	_ =	swait.ge [sflag:s15], $0x6000  }
0x1bc: {  	[sflag:s15] =	ssyncset.done $0x0  }
0x1bd: {  	[sflag:s15] =	ssyncadd.s32 $0xFFFFA000  }
0x1be: {  	_ =	swait.ge [sflag:s5], $0x6000  }
0x1bf: {  	[sflag:s5] =	ssyncset.done $0x0  }
0x1c0: {  	[sflag:s5] =	ssyncadd.s32 $0xFFFFA000  }
0x1c1: {  	v6 =	vld [tilespmem:$0x5320];
	_ =	sdelay $0x4  }
0x1c2: {  	v7 =	vshrl.u32 v6, $0x3  }
0x1c3: {  	v7 =	vmul.u32 $0x30, v7  }
0x1c4: {  	v6 =	vand.u32 $0x7, v6  }
0x1c5: {  	v6 =	vor.u32 v6, v7  }
0x1c6: {  	v7 =	vperm.xlane v6, v3;
	_ =	sdelay $0x1  }
0x1c7: {  	v7 =	vadd.s32 v4, v7;
	_ =	sdelay $0x3  }
0x1c8: {  	v6 =	vperm.xlane v6, v5  }
0x1c9: {  	[tilespmem:s14], [sflag:$0x2] =	stream.indirect_vreg.gather [hbm4b:s1+s3], $0x80, v7, vm0, $0xb8;
	[tilespmem:$0x11480] =	vst v63  }
0x1ca: {  	s12 =	simm.s32 $0xBC80;
	v6 =	vadd.s32 v4, v6  }
0x1cb: {  	[tilespmem:s12], [sflag:$0x2] =	stream.indirect_vreg.gather [hbm4b:s9+s3], $0x80, v7, vm0, $0xb8;
	[tilespmem:$0x11480] =	vst v63  }
0x1cc: {  	s11 =	simm.s32 $0xC480  }
0x1cd: {  	[tilespmem:s11], [sflag:$0x2] =	stream.indirect_vreg.gather [hbm4b:s10+s3], $0x80, v7, vm0, $0xb8;
	[tilespmem:$0x11480] =	vst v63  }
0x1ce: {  	_ = 	snop  }
0x1cf: {  	[tilespmem:s2], [sflag:$0x2] =	stream.indirect_vreg.gather [hbm4b:s1+s3], $0x80, v6, vm0, $0xb8;
	[tilespmem:$0x11480] =	vst v63  }
0x1d0: {  	s18 =	simm.s32 $0xD480  }
0x1d1: {  	[tilespmem:s18], [sflag:$0x2] =	stream.indirect_vreg.gather [hbm4b:s9+s3], $0x80, v6, vm0, $0xb8;
	[tilespmem:$0x11480] =	vst v63  }
0x1d2: {  	s26 =	simm.s32 $0xDC80  }
0x1d3: {  	[tilespmem:s26], [sflag:$0x2] =	stream.indirect_vreg.gather [hbm4b:s10+s3], $0x80, v6, vm0, $0xb8;
	[tilespmem:$0x11480] =	vst v63  }
0x1d4: {  	v6 =	vld [tilespmem:$0x5330];
	_ =	sdelay $0x4  }
0x1d5: {  	v7 =	vshrl.u32 v6, $0x3  }
0x1d6: {  	v7 =	vmul.u32 $0x30, v7  }
0x1d7: {  	v6 =	vand.u32 $0x7, v6  }
0x1d8: {  	v6 =	vor.u32 v6, v7  }
0x1d9: {  	v7 =	vperm.xlane v6, v3;
	_ =	sdelay $0x1  }
0x1da: {  	v7 =	vadd.s32 v4, v7;
	_ =	sdelay $0x3  }
0x1db: {  	s29 =	simm.s32 $0xE480;
	v6 =	vperm.xlane v6, v5  }
0x1dc: {  	[tilespmem:s29], [sflag:$0x2] =	stream.indirect_vreg.gather [hbm4b:s1+s3], $0x80, v7, vm0, $0xb8;
	[tilespmem:$0x11480] =	vst v63  }
0x1dd: {  	s17 =	simm.s32 $0xEC80;
	v6 =	vadd.s32 v4, v6  }
0x1de: {  	[tilespmem:s17], [sflag:$0x2] =	stream.indirect_vreg.gather [hbm4b:s9+s3], $0x80, v7, vm0, $0xb8;
	[tilespmem:$0x11480] =	vst v63  }
0x1df: {  	s7 =	simm.s32 $0xF480  }
0x1e0: {  	[tilespmem:s7], [sflag:$0x2] =	stream.indirect_vreg.gather [hbm4b:s10+s3], $0x80, v7, vm0, $0xb8;
	[tilespmem:$0x11480] =	vst v63  }
0x1e1: {  	s6 =	simm.s32 $0xFC80  }
0x1e2: {  	[tilespmem:s6], [sflag:$0x2] =	stream.indirect_vreg.gather [hbm4b:s1+s3], $0x80, v6, vm0, $0xb8;
	[tilespmem:$0x11480] =	vst v63  }
0x1e3: {  	s19 =	simm.s32 $0x10480  }
0x1e4: {  	[tilespmem:s19], [sflag:$0x2] =	stream.indirect_vreg.gather [hbm4b:s9+s3], $0x80, v6, vm0, $0xb8;
	[tilespmem:$0x11480] =	vst v63  }
0x1e5: {  	s19 =	simm.s32 $0x10C80  }
0x1e6: {  	[tilespmem:s19], [sflag:$0x2] =	stream.indirect_vreg.gather [hbm4b:s10+s3], $0x80, v6, vm0, $0xb8;
	[tilespmem:$0x11480] =	vst v63  }
0x1e7: {  	s29 =	rddreg [dreg:$0x15]  }
0x1e8: {  	[hbm4b:s29+s3] =	stream.linear.scatter [tilespmem:s16], [sflag:$0x3], $0x6000, $0x38;
	[tilespmem:$0x11480] =	vst v63  }
0x1e9: {  	_ =	swait.ge [sflag:s30], $0x6000  }
0x1ea: {  	[sflag:s30] =	ssyncset.done $0x0  }
0x1eb: {  	[sflag:s30] =	ssyncadd.s32 $0xFFFFA000  }
0x1ec: {  	_ =	swait.ge [sflag:s4], $0x6000  }
0x1ed: {  	[sflag:s4] =	ssyncset.done $0x0  }
0x1ee: {  	[sflag:s4] =	ssyncadd.s32 $0xFFFFA000  }
0x1ef: {  	v6 =	vld [tilespmem:$0x5340];
	_ =	sdelay $0x4  }
0x1f0: {  	v7 =	vshrl.u32 v6, $0x3  }
0x1f1: {  	v7 =	vmul.u32 $0x30, v7  }
0x1f2: {  	v6 =	vand.u32 $0x7, v6  }
0x1f3: {  	v6 =	vor.u32 v6, v7  }
0x1f4: {  	v7 =	vperm.xlane v6, v3;
	_ =	sdelay $0x1  }
0x1f5: {  	v7 =	vadd.s32 v4, v7;
	_ =	sdelay $0x3  }
0x1f6: {  	v6 =	vperm.xlane v6, v5  }
0x1f7: {  	[tilespmem:s16], [sflag:$0x1] =	stream.indirect_vreg.gather [hbm4b:s1+s3], $0x80, v7, vm0, $0xb8;
	[tilespmem:$0x11480] =	vst v63  }
0x1f8: {  	s13 =	simm.s32 $0x5C80;
	v6 =	vadd.s32 v4, v6  }
0x1f9: {  	[tilespmem:s13], [sflag:$0x1] =	stream.indirect_vreg.gather [hbm4b:s9+s3], $0x80, v7, vm0, $0xb8;
	[tilespmem:$0x11480] =	vst v63  }
0x1fa: {  	s13 =	simm.s32 $0x6480  }
0x1fb: {  	[tilespmem:s13], [sflag:$0x1] =	stream.indirect_vreg.gather [hbm4b:s10+s3], $0x80, v7, vm0, $0xb8;
	[tilespmem:$0x11480] =	vst v63  }
0x1fc: {  	s19 =	simm.s32 $0x6C80  }
0x1fd: {  	[tilespmem:s19], [sflag:$0x1] =	stream.indirect_vreg.gather [hbm4b:s1+s3], $0x80, v6, vm0, $0xb8;
	[tilespmem:$0x11480] =	vst v63  }
0x1fe: {  	s20 =	simm.s32 $0x7480  }
0x1ff: {  	[tilespmem:s20], [sflag:$0x1] =	stream.indirect_vreg.gather [hbm4b:s9+s3], $0x80, v6, vm0, $0xb8;
	[tilespmem:$0x11480] =	vst v63  }
0x200: {  	s20 =	simm.s32 $0x7C80  }
0x201: {  	[tilespmem:s20], [sflag:$0x1] =	stream.indirect_vreg.gather [hbm4b:s10+s3], $0x80, v6, vm0, $0xb8;
	[tilespmem:$0x11480] =	vst v63  }
0x202: {  	v6 =	vld [tilespmem:$0x5350];
	_ =	sdelay $0x4  }
0x203: {  	v7 =	vshrl.u32 v6, $0x3  }
0x204: {  	v7 =	vmul.u32 $0x30, v7  }
0x205: {  	v6 =	vand.u32 $0x7, v6  }
0x206: {  	v6 =	vor.u32 v6, v7  }
0x207: {  	v7 =	vperm.xlane v6, v3;
	_ =	sdelay $0x1  }
0x208: {  	v7 =	vadd.s32 v4, v7;
	_ =	sdelay $0x3  }
0x209: {  	s19 =	simm.s32 $0x8480;
	v6 =	vperm.xlane v6, v5  }
0x20a: {  	[tilespmem:s19], [sflag:$0x1] =	stream.indirect_vreg.gather [hbm4b:s1+s3], $0x80, v7, vm0, $0xb8;
	[tilespmem:$0x11480] =	vst v63  }
0x20b: {  	s21 =	simm.s32 $0x8C80;
	v6 =	vadd.s32 v4, v6  }
0x20c: {  	[tilespmem:s21], [sflag:$0x1] =	stream.indirect_vreg.gather [hbm4b:s9+s3], $0x80, v7, vm0, $0xb8;
	[tilespmem:$0x11480] =	vst v63  }
0x20d: {  	s22 =	simm.s32 $0x9480  }
0x20e: {  	[tilespmem:s22], [sflag:$0x1] =	stream.indirect_vreg.gather [hbm4b:s10+s3], $0x80, v7, vm0, $0xb8;
	[tilespmem:$0x11480] =	vst v63  }
0x20f: {  	s23 =	simm.s32 $0x9C80  }
0x210: {  	[tilespmem:s23], [sflag:$0x1] =	stream.indirect_vreg.gather [hbm4b:s1+s3], $0x80, v6, vm0, $0xb8;
	[tilespmem:$0x11480] =	vst v63  }
0x211: {  	s24 =	simm.s32 $0xA480  }
0x212: {  	[tilespmem:s24], [sflag:$0x1] =	stream.indirect_vreg.gather [hbm4b:s9+s3], $0x80, v6, vm0, $0xb8;
	[tilespmem:$0x11480] =	vst v63  }
0x213: {  	s20 =	simm.s32 $0xAC80  }
0x214: {  	[tilespmem:s20], [sflag:$0x1] =	stream.indirect_vreg.gather [hbm4b:s10+s3], $0x80, v6, vm0, $0xb8;
	[tilespmem:$0x11480] =	vst v63  }
0x215: {  	s24 =	rddreg [dreg:$0x16]  }
0x216: {  	[hbm4b:s24+s3] =	stream.linear.scatter [tilespmem:s14], [sflag:$0x4], $0x6000, $0x38;
	[tilespmem:$0x11480] =	vst v63  }
0x217: {  	_ =	swait.ge [sflag:s15], $0x6000  }
0x218: {  	[sflag:s15] =	ssyncset.done $0x0  }
0x219: {  	[sflag:s15] =	ssyncadd.s32 $0xFFFFA000  }
0x21a: {  	_ =	swait.ge [sflag:s5], $0x6000  }
0x21b: {  	[sflag:s5] =	ssyncset.done $0x0  }
0x21c: {  	[sflag:s5] =	ssyncadd.s32 $0xFFFFA000  }
0x21d: {  	v6 =	vld [tilespmem:$0x5360];
	_ =	sdelay $0x4  }
0x21e: {  	v7 =	vshrl.u32 v6, $0x3  }
0x21f: {  	v7 =	vmul.u32 $0x30, v7  }
0x220: {  	v6 =	vand.u32 $0x7, v6  }
0x221: {  	v6 =	vor.u32 v6, v7  }
0x222: {  	v7 =	vperm.xlane v6, v3;
	_ =	sdelay $0x1  }
0x223: {  	v7 =	vadd.s32 v4, v7;
	_ =	sdelay $0x3  }
0x224: {  	v6 =	vperm.xlane v6, v5  }
0x225: {  	[tilespmem:s14], [sflag:$0x2] =	stream.indirect_vreg.gather [hbm4b:s1+s3], $0x80, v7, vm0, $0xb8;
	[tilespmem:$0x11480] =	vst v63  }
0x226: {  	s12 =	simm.s32 $0xBC80;
	v6 =	vadd.s32 v4, v6  }
0x227: {  	[tilespmem:s12], [sflag:$0x2] =	stream.indirect_vreg.gather [hbm4b:s9+s3], $0x80, v7, vm0, $0xb8;
	[tilespmem:$0x11480] =	vst v63  }
0x228: {  	s11 =	simm.s32 $0xC480  }
0x229: {  	[tilespmem:s11], [sflag:$0x2] =	stream.indirect_vreg.gather [hbm4b:s10+s3], $0x80, v7, vm0, $0xb8;
	[tilespmem:$0x11480] =	vst v63  }
0x22a: {  	s2 =	simm.s32 $0xCC80  }
0x22b: {  	[tilespmem:s2], [sflag:$0x2] =	stream.indirect_vreg.gather [hbm4b:s1+s3], $0x80, v6, vm0, $0xb8;
	[tilespmem:$0x11480] =	vst v63  }
0x22c: {  	s31 =	simm.s32 $0xD480  }
0x22d: {  	[tilespmem:s31], [sflag:$0x2] =	stream.indirect_vreg.gather [hbm4b:s9+s3], $0x80, v6, vm0, $0xb8;
	[tilespmem:$0x11480] =	vst v63  }
0x22e: {  	s25 =	simm.s32 $0xDC80  }
0x22f: {  	[tilespmem:s25], [sflag:$0x2] =	stream.indirect_vreg.gather [hbm4b:s10+s3], $0x80, v6, vm0, $0xb8;
	[tilespmem:$0x11480] =	vst v63  }
0x230: {  	v6 =	vld [tilespmem:$0x5370];
	_ =	sdelay $0x4  }
0x231: {  	v7 =	vshrl.u32 v6, $0x3  }
0x232: {  	v7 =	vmul.u32 $0x30, v7  }
0x233: {  	v6 =	vand.u32 $0x7, v6  }
0x234: {  	v6 =	vor.u32 v6, v7  }
0x235: {  	v7 =	vperm.xlane v6, v3;
	_ =	sdelay $0x1  }
0x236: {  	v7 =	vadd.s32 v4, v7;
	_ =	sdelay $0x3  }
0x237: {  	s26 =	simm.s32 $0xE480;
	v6 =	vperm.xlane v6, v5  }
0x238: {  	[tilespmem:s26], [sflag:$0x2] =	stream.indirect_vreg.gather [hbm4b:s1+s3], $0x80, v7, vm0, $0xb8;
	[tilespmem:$0x11480] =	vst v63  }
0x239: {  	s17 =	simm.s32 $0xEC80;
	v6 =	vadd.s32 v4, v6  }
0x23a: {  	[tilespmem:s17], [sflag:$0x2] =	stream.indirect_vreg.gather [hbm4b:s9+s3], $0x80, v7, vm0, $0xb8;
	[tilespmem:$0x11480] =	vst v63  }
0x23b: {  	s7 =	simm.s32 $0xF480  }
0x23c: {  	[tilespmem:s7], [sflag:$0x2] =	stream.indirect_vreg.gather [hbm4b:s10+s3], $0x80, v7, vm0, $0xb8;
	[tilespmem:$0x11480] =	vst v63  }
0x23d: {  	s6 =	simm.s32 $0xFC80  }
0x23e: {  	[tilespmem:s6], [sflag:$0x2] =	stream.indirect_vreg.gather [hbm4b:s1+s3], $0x80, v6, vm0, $0xb8;
	[tilespmem:$0x11480] =	vst v63  }
0x23f: {  	s18 =	simm.s32 $0x10480  }
0x240: {  	[tilespmem:s18], [sflag:$0x2] =	stream.indirect_vreg.gather [hbm4b:s9+s3], $0x80, v6, vm0, $0xb8;
	[tilespmem:$0x11480] =	vst v63  }
0x241: {  	s17 =	simm.s32 $0x10C80  }
0x242: {  	[tilespmem:s17], [sflag:$0x2] =	stream.indirect_vreg.gather [hbm4b:s10+s3], $0x80, v6, vm0, $0xb8;
	[tilespmem:$0x11480] =	vst v63  }
0x243: {  	s18 =	rddreg [dreg:$0x17]  }
0x244: {  	[hbm4b:s18+s3] =	stream.linear.scatter [tilespmem:s16], [sflag:$0x3], $0x6000, $0x38;
	[tilespmem:$0x11480] =	vst v63  }
0x245: {  	_ =	swait.ge [sflag:s30], $0x6000  }
0x246: {  	[sflag:s30] =	ssyncset.done $0x0  }
0x247: {  	[sflag:s30] =	ssyncadd.s32 $0xFFFFA000  }
0x248: {  	_ =	swait.ge [sflag:s4], $0x6000  }
0x249: {  	[sflag:s4] =	ssyncset.done $0x0  }
0x24a: {  	[sflag:s4] =	ssyncadd.s32 $0xFFFFA000  }
0x24b: {  	v6 =	vld [tilespmem:$0x5380];
	_ =	sdelay $0x4  }
0x24c: {  	v7 =	vshrl.u32 v6, $0x3  }
0x24d: {  	v7 =	vmul.u32 $0x30, v7  }
0x24e: {  	v6 =	vand.u32 $0x7, v6  }
0x24f: {  	v6 =	vor.u32 v6, v7  }
0x250: {  	v7 =	vperm.xlane v6, v3;
	_ =	sdelay $0x1  }
0x251: {  	v7 =	vadd.s32 v4, v7;
	_ =	sdelay $0x3  }
0x252: {  	v6 =	vperm.xlane v6, v5  }
0x253: {  	[tilespmem:s16], [sflag:$0x1] =	stream.indirect_vreg.gather [hbm4b:s1+s3], $0x80, v7, vm0, $0xb8;
	[tilespmem:$0x11480] =	vst v63  }
0x254: {  	s29 =	simm.s32 $0x5C80;
	v6 =	vadd.s32 v4, v6  }
0x255: {  	[tilespmem:s29], [sflag:$0x1] =	stream.indirect_vreg.gather [hbm4b:s9+s3], $0x80, v7, vm0, $0xb8;
	[tilespmem:$0x11480] =	vst v63  }
0x256: {  	s17 =	simm.s32 $0x6480  }
0x257: {  	[tilespmem:s17], [sflag:$0x1] =	stream.indirect_vreg.gather [hbm4b:s10+s3], $0x80, v7, vm0, $0xb8;
	[tilespmem:$0x11480] =	vst v63  }
0x258: {  	s29 =	simm.s32 $0x6C80  }
0x259: {  	[tilespmem:s29], [sflag:$0x1] =	stream.indirect_vreg.gather [hbm4b:s1+s3], $0x80, v6, vm0, $0xb8;
	[tilespmem:$0x11480] =	vst v63  }
0x25a: {  	s13 =	simm.s32 $0x7480  }
0x25b: {  	[tilespmem:s13], [sflag:$0x1] =	stream.indirect_vreg.gather [hbm4b:s9+s3], $0x80, v6, vm0, $0xb8;
	[tilespmem:$0x11480] =	vst v63  }
0x25c: {  	s13 =	simm.s32 $0x7C80  }
0x25d: {  	[tilespmem:s13], [sflag:$0x1] =	stream.indirect_vreg.gather [hbm4b:s10+s3], $0x80, v6, vm0, $0xb8;
	[tilespmem:$0x11480] =	vst v63  }
0x25e: {  	v6 =	vld [tilespmem:$0x5390];
	_ =	sdelay $0x4  }
0x25f: {  	v7 =	vshrl.u32 v6, $0x3  }
0x260: {  	v7 =	vmul.u32 $0x30, v7  }
0x261: {  	v6 =	vand.u32 $0x7, v6  }
0x262: {  	v6 =	vor.u32 v6, v7  }
0x263: {  	v7 =	vperm.xlane v6, v3;
	_ =	sdelay $0x1  }
0x264: {  	v7 =	vadd.s32 v4, v7;
	_ =	sdelay $0x3  }
0x265: {  	s13 =	simm.s32 $0x8480;
	v6 =	vperm.xlane v6, v5  }
0x266: {  	[tilespmem:s13], [sflag:$0x1] =	stream.indirect_vreg.gather [hbm4b:s1+s3], $0x80, v7, vm0, $0xb8;
	[tilespmem:$0x11480] =	vst v63  }
0x267: {  	s19 =	simm.s32 $0x8C80;
	v6 =	vadd.s32 v4, v6  }
0x268: {  	[tilespmem:s19], [sflag:$0x1] =	stream.indirect_vreg.gather [hbm4b:s9+s3], $0x80, v7, vm0, $0xb8;
	[tilespmem:$0x11480] =	vst v63  }
0x269: {  	s21 =	simm.s32 $0x9480  }
0x26a: {  	[tilespmem:s21], [sflag:$0x1] =	stream.indirect_vreg.gather [hbm4b:s10+s3], $0x80, v7, vm0, $0xb8;
	[tilespmem:$0x11480] =	vst v63  }
0x26b: {  	s22 =	simm.s32 $0x9C80  }
0x26c: {  	[tilespmem:s22], [sflag:$0x1] =	stream.indirect_vreg.gather [hbm4b:s1+s3], $0x80, v6, vm0, $0xb8;
	[tilespmem:$0x11480] =	vst v63  }
0x26d: {  	s23 =	simm.s32 $0xA480  }
0x26e: {  	[tilespmem:s23], [sflag:$0x1] =	stream.indirect_vreg.gather [hbm4b:s9+s3], $0x80, v6, vm0, $0xb8;
	[tilespmem:$0x11480] =	vst v63  }
0x26f: {  	s19 =	simm.s32 $0xAC80  }
0x270: {  	[tilespmem:s19], [sflag:$0x1] =	stream.indirect_vreg.gather [hbm4b:s10+s3], $0x80, v6, vm0, $0xb8;
	[tilespmem:$0x11480] =	vst v63  }
0x271: {  	s19 =	rddreg [dreg:$0x18]  }
0x272: {  	[hbm4b:s19+s3] =	stream.linear.scatter [tilespmem:s14], [sflag:$0x4], $0x6000, $0x38;
	[tilespmem:$0x11480] =	vst v63  }
0x273: {  	_ =	swait.ge [sflag:s15], $0x6000  }
0x274: {  	[sflag:s15] =	ssyncset.done $0x0  }
0x275: {  	[sflag:s15] =	ssyncadd.s32 $0xFFFFA000  }
0x276: {  	_ =	swait.ge [sflag:s5], $0x6000  }
0x277: {  	[sflag:s5] =	ssyncset.done $0x0  }
0x278: {  	[sflag:s5] =	ssyncadd.s32 $0xFFFFA000  }
0x279: {  	v6 =	vld [tilespmem:$0x53A0];
	_ =	sdelay $0x4  }
0x27a: {  	v7 =	vshrl.u32 v6, $0x3  }
0x27b: {  	v7 =	vmul.u32 $0x30, v7  }
0x27c: {  	v6 =	vand.u32 $0x7, v6  }
0x27d: {  	v6 =	vor.u32 v6, v7  }
0x27e: {  	v7 =	vperm.xlane v6, v3;
	_ =	sdelay $0x1  }
0x27f: {  	v7 =	vadd.s32 v4, v7;
	_ =	sdelay $0x3  }
0x280: {  	v6 =	vperm.xlane v6, v5  }
0x281: {  	[tilespmem:s14], [sflag:$0x2] =	stream.indirect_vreg.gather [hbm4b:s1+s3], $0x80, v7, vm0, $0xb8;
	[tilespmem:$0x11480] =	vst v63  }
0x282: {  	s12 =	simm.s32 $0xBC80;
	v6 =	vadd.s32 v4, v6  }
0x283: {  	[tilespmem:s12], [sflag:$0x2] =	stream.indirect_vreg.gather [hbm4b:s9+s3], $0x80, v7, vm0, $0xb8;
	[tilespmem:$0x11480] =	vst v63  }
0x284: {  	s24 =	simm.s32 $0xC480  }
0x285: {  	[tilespmem:s24], [sflag:$0x2] =	stream.indirect_vreg.gather [hbm4b:s10+s3], $0x80, v7, vm0, $0xb8;
	[tilespmem:$0x11480] =	vst v63  }
0x286: {  	s2 =	simm.s32 $0xCC80  }
0x287: {  	[tilespmem:s2], [sflag:$0x2] =	stream.indirect_vreg.gather [hbm4b:s1+s3], $0x80, v6, vm0, $0xb8;
	[tilespmem:$0x11480] =	vst v63  }
0x288: {  	s31 =	simm.s32 $0xD480  }
0x289: {  	[tilespmem:s31], [sflag:$0x2] =	stream.indirect_vreg.gather [hbm4b:s9+s3], $0x80, v6, vm0, $0xb8;
	[tilespmem:$0x11480] =	vst v63  }
0x28a: {  	s20 =	simm.s32 $0xDC80  }
0x28b: {  	[tilespmem:s20], [sflag:$0x2] =	stream.indirect_vreg.gather [hbm4b:s10+s3], $0x80, v6, vm0, $0xb8;
	[tilespmem:$0x11480] =	vst v63  }
0x28c: {  	v6 =	vld [tilespmem:$0x53B0];
	_ =	sdelay $0x4  }
0x28d: {  	v7 =	vshrl.u32 v6, $0x3  }
0x28e: {  	v7 =	vmul.u32 $0x30, v7  }
0x28f: {  	v6 =	vand.u32 $0x7, v6  }
0x290: {  	v6 =	vor.u32 v6, v7  }
0x291: {  	v7 =	vperm.xlane v6, v3;
	_ =	sdelay $0x1  }
0x292: {  	v7 =	vadd.s32 v4, v7;
	_ =	sdelay $0x3  }
0x293: {  	s26 =	simm.s32 $0xE480;
	v6 =	vperm.xlane v6, v5  }
0x294: {  	[tilespmem:s26], [sflag:$0x2] =	stream.indirect_vreg.gather [hbm4b:s1+s3], $0x80, v7, vm0, $0xb8;
	[tilespmem:$0x11480] =	vst v63  }
0x295: {  	s25 =	simm.s32 $0xEC80;
	v6 =	vadd.s32 v4, v6  }
0x296: {  	[tilespmem:s25], [sflag:$0x2] =	stream.indirect_vreg.gather [hbm4b:s9+s3], $0x80, v7, vm0, $0xb8;
	[tilespmem:$0x11480] =	vst v63  }
0x297: {  	s11 =	simm.s32 $0xF480  }
0x298: {  	[tilespmem:s11], [sflag:$0x2] =	stream.indirect_vreg.gather [hbm4b:s10+s3], $0x80, v7, vm0, $0xb8;
	[tilespmem:$0x11480] =	vst v63  }
0x299: {  	s6 =	simm.s32 $0xFC80  }
0x29a: {  	[tilespmem:s6], [sflag:$0x2] =	stream.indirect_vreg.gather [hbm4b:s1+s3], $0x80, v6, vm0, $0xb8;
	[tilespmem:$0x11480] =	vst v63  }
0x29b: {  	s7 =	simm.s32 $0x10480  }
0x29c: {  	[tilespmem:s7], [sflag:$0x2] =	stream.indirect_vreg.gather [hbm4b:s9+s3], $0x80, v6, vm0, $0xb8;
	[tilespmem:$0x11480] =	vst v63  }
0x29d: {  	s8 =	simm.s32 $0x10C80  }
0x29e: {  	[tilespmem:s8], [sflag:$0x2] =	stream.indirect_vreg.gather [hbm4b:s10+s3], $0x80, v6, vm0, $0xb8;
	[tilespmem:$0x11480] =	vst v63  }
0x29f: {  	s7 =	rddreg [dreg:$0x19]  }
0x2a0: {  	[hbm4b:s7+s3] =	stream.linear.scatter [tilespmem:s16], [sflag:$0x3], $0x6000, $0x38;
	[tilespmem:$0x11480] =	vst v63  }
0x2a1: {  	_ =	swait.ge [sflag:s30], $0x6000  }
0x2a2: {  	[sflag:s30] =	ssyncset.done $0x0  }
0x2a3: {  	[sflag:s30] =	ssyncadd.s32 $0xFFFFA000  }
0x2a4: {  	_ =	swait.ge [sflag:s4], $0x6000  }
0x2a5: {  	[sflag:s4] =	ssyncset.done $0x0  }
0x2a6: {  	[sflag:s4] =	ssyncadd.s32 $0xFFFFA000  }
0x2a7: {  	v6 =	vld [tilespmem:$0x53C0];
	_ =	sdelay $0x4  }
0x2a8: {  	v7 =	vshrl.u32 v6, $0x3  }
0x2a9: {  	v7 =	vmul.u32 $0x30, v7  }
0x2aa: {  	v6 =	vand.u32 $0x7, v6  }
0x2ab: {  	v6 =	vor.u32 v6, v7  }
0x2ac: {  	v7 =	vperm.xlane v6, v3;
	_ =	sdelay $0x1  }
0x2ad: {  	v7 =	vadd.s32 v4, v7;
	_ =	sdelay $0x3  }
0x2ae: {  	v6 =	vperm.xlane v6, v5  }
0x2af: {  	[tilespmem:s16], [sflag:$0x1] =	stream.indirect_vreg.gather [hbm4b:s1+s3], $0x80, v7, vm0, $0xb8;
	[tilespmem:$0x11480] =	vst v63  }
0x2b0: {  	s18 =	simm.s32 $0x5C80;
	v6 =	vadd.s32 v4, v6  }
0x2b1: {  	[tilespmem:s18], [sflag:$0x1] =	stream.indirect_vreg.gather [hbm4b:s9+s3], $0x80, v7, vm0, $0xb8;
	[tilespmem:$0x11480] =	vst v63  }
0x2b2: {  	s8 =	simm.s32 $0x6480  }
0x2b3: {  	[tilespmem:s8], [sflag:$0x1] =	stream.indirect_vreg.gather [hbm4b:s10+s3], $0x80, v7, vm0, $0xb8;
	[tilespmem:$0x11480] =	vst v63  }
0x2b4: {  	s29 =	simm.s32 $0x6C80  }
0x2b5: {  	[tilespmem:s29], [sflag:$0x1] =	stream.indirect_vreg.gather [hbm4b:s1+s3], $0x80, v6, vm0, $0xb8;
	[tilespmem:$0x11480] =	vst v63  }
0x2b6: {  	s17 =	simm.s32 $0x7480  }
0x2b7: {  	[tilespmem:s17], [sflag:$0x1] =	stream.indirect_vreg.gather [hbm4b:s9+s3], $0x80, v6, vm0, $0xb8;
	[tilespmem:$0x11480] =	vst v63  }
0x2b8: {  	s29 =	simm.s32 $0x7C80  }
0x2b9: {  	[tilespmem:s29], [sflag:$0x1] =	stream.indirect_vreg.gather [hbm4b:s10+s3], $0x80, v6, vm0, $0xb8;
	[tilespmem:$0x11480] =	vst v63  }
0x2ba: {  	v6 =	vld [tilespmem:$0x53D0];
	_ =	sdelay $0x4  }
0x2bb: {  	v7 =	vshrl.u32 v6, $0x3  }
0x2bc: {  	v7 =	vmul.u32 $0x30, v7  }
0x2bd: {  	v6 =	vand.u32 $0x7, v6  }
0x2be: {  	v6 =	vor.u32 v6, v7  }
0x2bf: {  	v7 =	vperm.xlane v6, v3;
	_ =	sdelay $0x1  }
0x2c0: {  	v7 =	vadd.s32 v4, v7;
	_ =	sdelay $0x3  }
0x2c1: {  	s17 =	simm.s32 $0x8480;
	v6 =	vperm.xlane v6, v5  }
0x2c2: {  	[tilespmem:s17], [sflag:$0x1] =	stream.indirect_vreg.gather [hbm4b:s1+s3], $0x80, v7, vm0, $0xb8;
	[tilespmem:$0x11480] =	vst v63  }
0x2c3: {  	s13 =	simm.s32 $0x8C80;
	v6 =	vadd.s32 v4, v6  }
0x2c4: {  	[tilespmem:s13], [sflag:$0x1] =	stream.indirect_vreg.gather [hbm4b:s9+s3], $0x80, v7, vm0, $0xb8;
	[tilespmem:$0x11480] =	vst v63  }
0x2c5: {  	s21 =	simm.s32 $0x9480  }
0x2c6: {  	[tilespmem:s21], [sflag:$0x1] =	stream.indirect_vreg.gather [hbm4b:s10+s3], $0x80, v7, vm0, $0xb8;
	[tilespmem:$0x11480] =	vst v63  }
0x2c7: {  	s22 =	simm.s32 $0x9C80  }
0x2c8: {  	[tilespmem:s22], [sflag:$0x1] =	stream.indirect_vreg.gather [hbm4b:s1+s3], $0x80, v6, vm0, $0xb8;
	[tilespmem:$0x11480] =	vst v63  }
0x2c9: {  	s23 =	simm.s32 $0xA480  }
0x2ca: {  	[tilespmem:s23], [sflag:$0x1] =	stream.indirect_vreg.gather [hbm4b:s9+s3], $0x80, v6, vm0, $0xb8;
	[tilespmem:$0x11480] =	vst v63  }
0x2cb: {  	s21 =	simm.s32 $0xAC80  }
0x2cc: {  	[tilespmem:s21], [sflag:$0x1] =	stream.indirect_vreg.gather [hbm4b:s10+s3], $0x80, v6, vm0, $0xb8;
	[tilespmem:$0x11480] =	vst v63  }
0x2cd: {  	s22 =	rddreg [dreg:$0x1a]  }
0x2ce: {  	[hbm4b:s22+s3] =	stream.linear.scatter [tilespmem:s14], [sflag:$0x4], $0x6000, $0x38;
	[tilespmem:$0x11480] =	vst v63  }
0x2cf: {  	_ =	swait.ge [sflag:s15], $0x6000  }
0x2d0: {  	[sflag:s15] =	ssyncset.done $0x0  }
0x2d1: {  	[sflag:s15] =	ssyncadd.s32 $0xFFFFA000  }
0x2d2: {  	_ =	swait.ge [sflag:s5], $0x6000  }
0x2d3: {  	[sflag:s5] =	ssyncset.done $0x0  }
0x2d4: {  	[sflag:s5] =	ssyncadd.s32 $0xFFFFA000  }
0x2d5: {  	v6 =	vld [tilespmem:$0x53E0];
	_ =	sdelay $0x4  }
0x2d6: {  	v7 =	vshrl.u32 v6, $0x3  }
0x2d7: {  	v7 =	vmul.u32 $0x30, v7  }
0x2d8: {  	v6 =	vand.u32 $0x7, v6  }
0x2d9: {  	v6 =	vor.u32 v6, v7  }
0x2da: {  	v7 =	vperm.xlane v6, v3;
	_ =	sdelay $0x1  }
0x2db: {  	v7 =	vadd.s32 v4, v7;
	_ =	sdelay $0x3  }
0x2dc: {  	v6 =	vperm.xlane v6, v5  }
0x2dd: {  	[tilespmem:s14], [sflag:$0x2] =	stream.indirect_vreg.gather [hbm4b:s1+s3], $0x80, v7, vm0, $0xb8;
	[tilespmem:$0x11480] =	vst v63  }
0x2de: {  	s12 =	simm.s32 $0xBC80;
	v6 =	vadd.s32 v4, v6  }
0x2df: {  	[tilespmem:s12], [sflag:$0x2] =	stream.indirect_vreg.gather [hbm4b:s9+s3], $0x80, v7, vm0, $0xb8;
	[tilespmem:$0x11480] =	vst v63  }
0x2e0: {  	s24 =	simm.s32 $0xC480  }
0x2e1: {  	[tilespmem:s24], [sflag:$0x2] =	stream.indirect_vreg.gather [hbm4b:s10+s3], $0x80, v7, vm0, $0xb8;
	[tilespmem:$0x11480] =	vst v63  }
0x2e2: {  	s2 =	simm.s32 $0xCC80  }
0x2e3: {  	[tilespmem:s2], [sflag:$0x2] =	stream.indirect_vreg.gather [hbm4b:s1+s3], $0x80, v6, vm0, $0xb8;
	[tilespmem:$0x11480] =	vst v63  }
0x2e4: {  	s31 =	simm.s32 $0xD480  }
0x2e5: {  	[tilespmem:s31], [sflag:$0x2] =	stream.indirect_vreg.gather [hbm4b:s9+s3], $0x80, v6, vm0, $0xb8;
	[tilespmem:$0x11480] =	vst v63  }
0x2e6: {  	s19 =	simm.s32 $0xDC80  }
0x2e7: {  	[tilespmem:s19], [sflag:$0x2] =	stream.indirect_vreg.gather [hbm4b:s10+s3], $0x80, v6, vm0, $0xb8;
	[tilespmem:$0x11480] =	vst v63  }
0x2e8: {  	v6 =	vld [tilespmem:$0x53F0];
	_ =	sdelay $0x4  }
0x2e9: {  	v7 =	vshrl.u32 v6, $0x3  }
0x2ea: {  	v7 =	vmul.u32 $0x30, v7  }
0x2eb: {  	v6 =	vand.u32 $0x7, v6  }
0x2ec: {  	v6 =	vor.u32 v6, v7  }
0x2ed: {  	v7 =	vperm.xlane v6, v3;
	_ =	sdelay $0x1  }
0x2ee: {  	v7 =	vadd.s32 v4, v7;
	_ =	sdelay $0x3  }
0x2ef: {  	s26 =	simm.s32 $0xE480;
	v6 =	vperm.xlane v6, v5  }
0x2f0: {  	[tilespmem:s26], [sflag:$0x2] =	stream.indirect_vreg.gather [hbm4b:s1+s3], $0x80, v7, vm0, $0xb8;
	[tilespmem:$0x11480] =	vst v63  }
0x2f1: {  	s25 =	simm.s32 $0xEC80;
	v6 =	vadd.s32 v4, v6  }
0x2f2: {  	[tilespmem:s25], [sflag:$0x2] =	stream.indirect_vreg.gather [hbm4b:s9+s3], $0x80, v7, vm0, $0xb8;
	[tilespmem:$0x11480] =	vst v63  }
0x2f3: {  	s11 =	simm.s32 $0xF480  }
0x2f4: {  	[tilespmem:s11], [sflag:$0x2] =	stream.indirect_vreg.gather [hbm4b:s10+s3], $0x80, v7, vm0, $0xb8;
	[tilespmem:$0x11480] =	vst v63  }
0x2f5: {  	s20 =	simm.s32 $0xFC80  }
0x2f6: {  	[tilespmem:s20], [sflag:$0x2] =	stream.indirect_vreg.gather [hbm4b:s1+s3], $0x80, v6, vm0, $0xb8;
	[tilespmem:$0x11480] =	vst v63  }
0x2f7: {  	s6 =	simm.s32 $0x10480  }
0x2f8: {  	[tilespmem:s6], [sflag:$0x2] =	stream.indirect_vreg.gather [hbm4b:s9+s3], $0x80, v6, vm0, $0xb8;
	[tilespmem:$0x11480] =	vst v63  }
0x2f9: {  	s11 =	simm.s32 $0x10C80  }
0x2fa: {  	[tilespmem:s11], [sflag:$0x2] =	stream.indirect_vreg.gather [hbm4b:s10+s3], $0x80, v6, vm0, $0xb8;
	[tilespmem:$0x11480] =	vst v63  }
0x2fb: {  	s20 =	rddreg [dreg:$0x8]  }
0x2fc: {  	[hbm4b:s20+s3] =	stream.linear.scatter [tilespmem:s16], [sflag:$0x3], $0x6000, $0x38;
	[tilespmem:$0x11480] =	vst v63  }
0x2fd: {  	_ =	swait.ge [sflag:s30], $0x6000  }
0x2fe: {  	[sflag:s30] =	ssyncset.done $0x0  }
0x2ff: {  	[sflag:s30] =	ssyncadd.s32 $0xFFFFA000  }
0x300: {  	_ =	swait.ge [sflag:s4], $0x6000  }
0x301: {  	[sflag:s4] =	ssyncset.done $0x0  }
0x302: {  	[sflag:s4] =	ssyncadd.s32 $0xFFFFA000  }
0x303: {  	v6 =	vld [tilespmem:$0x5400];
	_ =	sdelay $0x4  }
0x304: {  	v7 =	vshrl.u32 v6, $0x3  }
0x305: {  	v7 =	vmul.u32 $0x30, v7  }
0x306: {  	v6 =	vand.u32 $0x7, v6  }
0x307: {  	v6 =	vor.u32 v6, v7  }
0x308: {  	v7 =	vperm.xlane v6, v3;
	_ =	sdelay $0x1  }
0x309: {  	v7 =	vadd.s32 v4, v7;
	_ =	sdelay $0x3  }
0x30a: {  	v6 =	vperm.xlane v6, v5  }
0x30b: {  	[tilespmem:s16], [sflag:$0x1] =	stream.indirect_vreg.gather [hbm4b:s1+s3], $0x80, v7, vm0, $0xb8;
	[tilespmem:$0x11480] =	vst v63  }
0x30c: {  	s18 =	simm.s32 $0x5C80;
	v6 =	vadd.s32 v4, v6  }
0x30d: {  	[tilespmem:s18], [sflag:$0x1] =	stream.indirect_vreg.gather [hbm4b:s9+s3], $0x80, v7, vm0, $0xb8;
	[tilespmem:$0x11480] =	vst v63  }
0x30e: {  	s24 =	simm.s32 $0x6480  }
0x30f: {  	[tilespmem:s24], [sflag:$0x1] =	stream.indirect_vreg.gather [hbm4b:s10+s3], $0x80, v7, vm0, $0xb8;
	[tilespmem:$0x11480] =	vst v63  }
0x310: {  	s26 =	simm.s32 $0x6C80  }
0x311: {  	[tilespmem:s26], [sflag:$0x1] =	stream.indirect_vreg.gather [hbm4b:s1+s3], $0x80, v6, vm0, $0xb8;
	[tilespmem:$0x11480] =	vst v63  }
0x312: {  	s7 =	simm.s32 $0x7480  }
0x313: {  	[tilespmem:s7], [sflag:$0x1] =	stream.indirect_vreg.gather [hbm4b:s9+s3], $0x80, v6, vm0, $0xb8;
	[tilespmem:$0x11480] =	vst v63  }
0x314: {  	s8 =	simm.s32 $0x7C80  }
0x315: {  	[tilespmem:s8], [sflag:$0x1] =	stream.indirect_vreg.gather [hbm4b:s10+s3], $0x80, v6, vm0, $0xb8;
	[tilespmem:$0x11480] =	vst v63  }
0x316: {  	v6 =	vld [tilespmem:$0x5410];
	_ =	sdelay $0x4  }
0x317: {  	v7 =	vshrl.u32 v6, $0x3  }
0x318: {  	v7 =	vmul.u32 $0x30, v7  }
0x319: {  	v6 =	vand.u32 $0x7, v6  }
0x31a: {  	v6 =	vor.u32 v6, v7  }
0x31b: {  	v7 =	vperm.xlane v6, v3;
	_ =	sdelay $0x1  }
0x31c: {  	v7 =	vadd.s32 v4, v7;
	_ =	sdelay $0x3  }
0x31d: {  	s18 =	simm.s32 $0x8480;
	v6 =	vperm.xlane v6, v5  }
0x31e: {  	[tilespmem:s18], [sflag:$0x1] =	stream.indirect_vreg.gather [hbm4b:s1+s3], $0x80, v7, vm0, $0xb8;
	[tilespmem:$0x11480] =	vst v63  }
0x31f: {  	s17 =	simm.s32 $0x8C80;
	v6 =	vadd.s32 v4, v6  }
0x320: {  	[tilespmem:s17], [sflag:$0x1] =	stream.indirect_vreg.gather [hbm4b:s9+s3], $0x80, v7, vm0, $0xb8;
	[tilespmem:$0x11480] =	vst v63  }
0x321: {  	s13 =	simm.s32 $0x9480  }
0x322: {  	[tilespmem:s13], [sflag:$0x1] =	stream.indirect_vreg.gather [hbm4b:s10+s3], $0x80, v7, vm0, $0xb8;
	[tilespmem:$0x11480] =	vst v63  }
0x323: {  	s29 =	simm.s32 $0x9C80  }
0x324: {  	[tilespmem:s29], [sflag:$0x1] =	stream.indirect_vreg.gather [hbm4b:s1+s3], $0x80, v6, vm0, $0xb8;
	[tilespmem:$0x11480] =	vst v63  }
0x325: {  	s23 =	simm.s32 $0xA480  }
0x326: {  	[tilespmem:s23], [sflag:$0x1] =	stream.indirect_vreg.gather [hbm4b:s9+s3], $0x80, v6, vm0, $0xb8;
	[tilespmem:$0x11480] =	vst v63  }
0x327: {  	s23 =	simm.s32 $0xAC80  }
0x328: {  	[tilespmem:s23], [sflag:$0x1] =	stream.indirect_vreg.gather [hbm4b:s10+s3], $0x80, v6, vm0, $0xb8;
	[tilespmem:$0x11480] =	vst v63  }
0x329: {  	s13 =	rddreg [dreg:$0x9]  }
0x32a: {  	[hbm4b:s13+s3] =	stream.linear.scatter [tilespmem:s14], [sflag:$0x4], $0x6000, $0x38;
	[tilespmem:$0x11480] =	vst v63  }
0x32b: {  	_ =	swait.ge [sflag:s15], $0x6000  }
0x32c: {  	[sflag:s15] =	ssyncset.done $0x0  }
0x32d: {  	[sflag:s15] =	ssyncadd.s32 $0xFFFFA000  }
0x32e: {  	_ =	swait.ge [sflag:s5], $0x6000  }
0x32f: {  	[sflag:s5] =	ssyncset.done $0x0  }
0x330: {  	[sflag:s5] =	ssyncadd.s32 $0xFFFFA000  }
0x331: {  	v6 =	vld [tilespmem:$0x5420];
	_ =	sdelay $0x4  }
0x332: {  	v7 =	vshrl.u32 v6, $0x3  }
0x333: {  	v7 =	vmul.u32 $0x30, v7  }
0x334: {  	v6 =	vand.u32 $0x7, v6  }
0x335: {  	v6 =	vor.u32 v6, v7  }
0x336: {  	v7 =	vperm.xlane v6, v3;
	_ =	sdelay $0x1  }
0x337: {  	v7 =	vadd.s32 v4, v7;
	_ =	sdelay $0x3  }
0x338: {  	v6 =	vperm.xlane v6, v5  }
0x339: {  	[tilespmem:s14], [sflag:$0x2] =	stream.indirect_vreg.gather [hbm4b:s1+s3], $0x80, v7, vm0, $0xb8;
	[tilespmem:$0x11480] =	vst v63  }
0x33a: {  	s12 =	simm.s32 $0xBC80;
	v6 =	vadd.s32 v4, v6  }
0x33b: {  	[tilespmem:s12], [sflag:$0x2] =	stream.indirect_vreg.gather [hbm4b:s9+s3], $0x80, v7, vm0, $0xb8;
	[tilespmem:$0x11480] =	vst v63  }
0x33c: {  	s17 =	simm.s32 $0xC480  }
0x33d: {  	[tilespmem:s17], [sflag:$0x2] =	stream.indirect_vreg.gather [hbm4b:s10+s3], $0x80, v7, vm0, $0xb8;
	[tilespmem:$0x11480] =	vst v63  }
0x33e: {  	s2 =	simm.s32 $0xCC80  }
0x33f: {  	[tilespmem:s2], [sflag:$0x2] =	stream.indirect_vreg.gather [hbm4b:s1+s3], $0x80, v6, vm0, $0xb8;
	[tilespmem:$0x11480] =	vst v63  }
0x340: {  	s18 =	simm.s32 $0xD480  }
0x341: {  	[tilespmem:s18], [sflag:$0x2] =	stream.indirect_vreg.gather [hbm4b:s9+s3], $0x80, v6, vm0, $0xb8;
	[tilespmem:$0x11480] =	vst v63  }
0x342: {  	s19 =	simm.s32 $0xDC80  }
0x343: {  	[tilespmem:s19], [sflag:$0x2] =	stream.indirect_vreg.gather [hbm4b:s10+s3], $0x80, v6, vm0, $0xb8;
	[tilespmem:$0x11480] =	vst v63  }
0x344: {  	v6 =	vld [tilespmem:$0x5430];
	_ =	sdelay $0x4  }
0x345: {  	v7 =	vshrl.u32 v6, $0x3  }
0x346: {  	v7 =	vmul.u32 $0x30, v7  }
0x347: {  	v6 =	vand.u32 $0x7, v6  }
0x348: {  	v6 =	vor.u32 v6, v7  }
0x349: {  	v7 =	vperm.xlane v6, v3;
	_ =	sdelay $0x1  }
0x34a: {  	v7 =	vadd.s32 v4, v7;
	_ =	sdelay $0x3  }
0x34b: {  	s19 =	simm.s32 $0xE480;
	v6 =	vperm.xlane v6, v5  }
0x34c: {  	[tilespmem:s19], [sflag:$0x2] =	stream.indirect_vreg.gather [hbm4b:s1+s3], $0x80, v7, vm0, $0xb8;
	[tilespmem:$0x11480] =	vst v63  }
0x34d: {  	s31 =	simm.s32 $0xEC80;
	v6 =	vadd.s32 v4, v6  }
0x34e: {  	[tilespmem:s31], [sflag:$0x2] =	stream.indirect_vreg.gather [hbm4b:s9+s3], $0x80, v7, vm0, $0xb8;
	[tilespmem:$0x11480] =	vst v63  }
0x34f: {  	s25 =	simm.s32 $0xF480  }
0x350: {  	[tilespmem:s25], [sflag:$0x2] =	stream.indirect_vreg.gather [hbm4b:s10+s3], $0x80, v7, vm0, $0xb8;
	[tilespmem:$0x11480] =	vst v63  }
0x351: {  	s22 =	simm.s32 $0xFC80  }
0x352: {  	[tilespmem:s22], [sflag:$0x2] =	stream.indirect_vreg.gather [hbm4b:s1+s3], $0x80, v6, vm0, $0xb8;
	[tilespmem:$0x11480] =	vst v63  }
0x353: {  	s21 =	simm.s32 $0x10480  }
0x354: {  	[tilespmem:s21], [sflag:$0x2] =	stream.indirect_vreg.gather [hbm4b:s9+s3], $0x80, v6, vm0, $0xb8;
	[tilespmem:$0x11480] =	vst v63  }
0x355: {  	s22 =	simm.s32 $0x10C80  }
0x356: {  	[tilespmem:s22], [sflag:$0x2] =	stream.indirect_vreg.gather [hbm4b:s10+s3], $0x80, v6, vm0, $0xb8;
	[tilespmem:$0x11480] =	vst v63  }
0x357: {  	s25 =	rddreg [dreg:$0xa]  }
0x358: {  	[hbm4b:s25+s3] =	stream.linear.scatter [tilespmem:s16], [sflag:$0x3], $0x6000, $0x38;
	[tilespmem:$0x11480] =	vst v63  }
0x359: {  	_ =	swait.ge [sflag:s30], $0x6000  }
0x35a: {  	[sflag:s30] =	ssyncset.done $0x0  }
0x35b: {  	[sflag:s30] =	ssyncadd.s32 $0xFFFFA000  }
0x35c: {  	_ =	swait.ge [sflag:s4], $0x6000  }
0x35d: {  	[sflag:s4] =	ssyncset.done $0x0  }
0x35e: {  	[sflag:s4] =	ssyncadd.s32 $0xFFFFA000  }
0x35f: {  	v6 =	vld [tilespmem:$0x5440];
	_ =	sdelay $0x4  }
0x360: {  	v7 =	vshrl.u32 v6, $0x3  }
0x361: {  	v7 =	vmul.u32 $0x30, v7  }
0x362: {  	v6 =	vand.u32 $0x7, v6  }
0x363: {  	v6 =	vor.u32 v6, v7  }
0x364: {  	v7 =	vperm.xlane v6, v3;
	_ =	sdelay $0x1  }
0x365: {  	v7 =	vadd.s32 v4, v7;
	_ =	sdelay $0x3  }
0x366: {  	v6 =	vperm.xlane v6, v5  }
0x367: {  	[tilespmem:s16], [sflag:$0x1] =	stream.indirect_vreg.gather [hbm4b:s1+s3], $0x80, v7, vm0, $0xb8;
	[tilespmem:$0x11480] =	vst v63  }
0x368: {  	s11 =	simm.s32 $0x5C80;
	v6 =	vadd.s32 v4, v6  }
0x369: {  	[tilespmem:s11], [sflag:$0x1] =	stream.indirect_vreg.gather [hbm4b:s9+s3], $0x80, v7, vm0, $0xb8;
	[tilespmem:$0x11480] =	vst v63  }
0x36a: {  	s22 =	simm.s32 $0x6480  }
0x36b: {  	[tilespmem:s22], [sflag:$0x1] =	stream.indirect_vreg.gather [hbm4b:s10+s3], $0x80, v7, vm0, $0xb8;
	[tilespmem:$0x11480] =	vst v63  }
0x36c: {  	s24 =	simm.s32 $0x6C80  }
0x36d: {  	[tilespmem:s24], [sflag:$0x1] =	stream.indirect_vreg.gather [hbm4b:s1+s3], $0x80, v6, vm0, $0xb8;
	[tilespmem:$0x11480] =	vst v63  }
0x36e: {  	s20 =	simm.s32 $0x7480  }
0x36f: {  	[tilespmem:s20], [sflag:$0x1] =	stream.indirect_vreg.gather [hbm4b:s9+s3], $0x80, v6, vm0, $0xb8;
	[tilespmem:$0x11480] =	vst v63  }
0x370: {  	s25 =	simm.s32 $0x7C80  }
0x371: {  	[tilespmem:s25], [sflag:$0x1] =	stream.indirect_vreg.gather [hbm4b:s10+s3], $0x80, v6, vm0, $0xb8;
	[tilespmem:$0x11480] =	vst v63  }
0x372: {  	v6 =	vld [tilespmem:$0x5450];
	_ =	sdelay $0x4  }
0x373: {  	v7 =	vshrl.u32 v6, $0x3  }
0x374: {  	v7 =	vmul.u32 $0x30, v7  }
0x375: {  	v6 =	vand.u32 $0x7, v6  }
0x376: {  	v6 =	vor.u32 v6, v7  }
0x377: {  	v7 =	vperm.xlane v6, v3;
	_ =	sdelay $0x1  }
0x378: {  	v7 =	vadd.s32 v4, v7;
	_ =	sdelay $0x3  }
0x379: {  	s11 =	simm.s32 $0x8480;
	v6 =	vperm.xlane v6, v5  }
0x37a: {  	[tilespmem:s11], [sflag:$0x1] =	stream.indirect_vreg.gather [hbm4b:s1+s3], $0x80, v7, vm0, $0xb8;
	[tilespmem:$0x11480] =	vst v63  }
0x37b: {  	s6 =	simm.s32 $0x8C80;
	v6 =	vadd.s32 v4, v6  }
0x37c: {  	[tilespmem:s6], [sflag:$0x1] =	stream.indirect_vreg.gather [hbm4b:s9+s3], $0x80, v7, vm0, $0xb8;
	[tilespmem:$0x11480] =	vst v63  }
0x37d: {  	s26 =	simm.s32 $0x9480  }
0x37e: {  	[tilespmem:s26], [sflag:$0x1] =	stream.indirect_vreg.gather [hbm4b:s10+s3], $0x80, v7, vm0, $0xb8;
	[tilespmem:$0x11480] =	vst v63  }
0x37f: {  	s7 =	simm.s32 $0x9C80  }
0x380: {  	[tilespmem:s7], [sflag:$0x1] =	stream.indirect_vreg.gather [hbm4b:s1+s3], $0x80, v6, vm0, $0xb8;
	[tilespmem:$0x11480] =	vst v63  }
0x381: {  	s29 =	simm.s32 $0xA480  }
0x382: {  	[tilespmem:s29], [sflag:$0x1] =	stream.indirect_vreg.gather [hbm4b:s9+s3], $0x80, v6, vm0, $0xb8;
	[tilespmem:$0x11480] =	vst v63  }
0x383: {  	s20 =	simm.s32 $0xAC80  }
0x384: {  	[tilespmem:s20], [sflag:$0x1] =	stream.indirect_vreg.gather [hbm4b:s10+s3], $0x80, v6, vm0, $0xb8;
	[tilespmem:$0x11480] =	vst v63  }
0x385: {  	s22 =	rddreg [dreg:$0xb]  }
0x386: {  	[hbm4b:s22+s3] =	stream.linear.scatter [tilespmem:s14], [sflag:$0x4], $0x6000, $0x38;
	[tilespmem:$0x11480] =	vst v63  }
0x387: {  	_ =	swait.ge [sflag:s15], $0x6000  }
0x388: {  	[sflag:s15] =	ssyncset.done $0x0  }
0x389: {  	[sflag:s15] =	ssyncadd.s32 $0xFFFFA000  }
0x38a: {  	_ =	swait.ge [sflag:s5], $0x6000  }
0x38b: {  	[sflag:s5] =	ssyncset.done $0x0  }
0x38c: {  	[sflag:s5] =	ssyncadd.s32 $0xFFFFA000  }
0x38d: {  	v6 =	vld [tilespmem:$0x5460];
	_ =	sdelay $0x4  }
0x38e: {  	v7 =	vshrl.u32 v6, $0x3  }
0x38f: {  	v7 =	vmul.u32 $0x30, v7  }
0x390: {  	v6 =	vand.u32 $0x7, v6  }
0x391: {  	v6 =	vor.u32 v6, v7  }
0x392: {  	v7 =	vperm.xlane v6, v3;
	_ =	sdelay $0x1  }
0x393: {  	v7 =	vadd.s32 v4, v7;
	_ =	sdelay $0x3  }
0x394: {  	v6 =	vperm.xlane v6, v5  }
0x395: {  	[tilespmem:s14], [sflag:$0x2] =	stream.indirect_vreg.gather [hbm4b:s1+s3], $0x80, v7, vm0, $0xb8;
	[tilespmem:$0x11480] =	vst v63  }
0x396: {  	s13 =	simm.s32 $0xBC80;
	v6 =	vadd.s32 v4, v6  }
0x397: {  	[tilespmem:s13], [sflag:$0x2] =	stream.indirect_vreg.gather [hbm4b:s9+s3], $0x80, v7, vm0, $0xb8;
	[tilespmem:$0x11480] =	vst v63  }
0x398: {  	s23 =	simm.s32 $0xC480  }
0x399: {  	[tilespmem:s23], [sflag:$0x2] =	stream.indirect_vreg.gather [hbm4b:s10+s3], $0x80, v7, vm0, $0xb8;
	[tilespmem:$0x11480] =	vst v63  }
0x39a: {  	s12 =	simm.s32 $0xCC80  }
0x39b: {  	[tilespmem:s12], [sflag:$0x2] =	stream.indirect_vreg.gather [hbm4b:s1+s3], $0x80, v6, vm0, $0xb8;
	[tilespmem:$0x11480] =	vst v63  }
0x39c: {  	s23 =	simm.s32 $0xD480  }
0x39d: {  	[tilespmem:s23], [sflag:$0x2] =	stream.indirect_vreg.gather [hbm4b:s9+s3], $0x80, v6, vm0, $0xb8;
	[tilespmem:$0x11480] =	vst v63  }
0x39e: {  	s17 =	simm.s32 $0xDC80  }
0x39f: {  	[tilespmem:s17], [sflag:$0x2] =	stream.indirect_vreg.gather [hbm4b:s10+s3], $0x80, v6, vm0, $0xb8;
	[tilespmem:$0x11480] =	vst v63  }
0x3a0: {  	v6 =	vld [tilespmem:$0x5470];
	_ =	sdelay $0x4  }
0x3a1: {  	v7 =	vshrl.u32 v6, $0x3  }
0x3a2: {  	v7 =	vmul.u32 $0x30, v7  }
0x3a3: {  	v6 =	vand.u32 $0x7, v6  }
0x3a4: {  	v6 =	vor.u32 v6, v7  }
0x3a5: {  	v7 =	vperm.xlane v6, v3;
	_ =	sdelay $0x1  }
0x3a6: {  	v7 =	vadd.s32 v4, v7;
	_ =	sdelay $0x3  }
0x3a7: {  	s24 =	simm.s32 $0xE480;
	v6 =	vperm.xlane v6, v5  }
0x3a8: {  	[tilespmem:s24], [sflag:$0x2] =	stream.indirect_vreg.gather [hbm4b:s1+s3], $0x80, v7, vm0, $0xb8;
	[tilespmem:$0x11480] =	vst v63  }
0x3a9: {  	s31 =	simm.s32 $0xEC80;
	v6 =	vadd.s32 v4, v6  }
0x3aa: {  	[tilespmem:s31], [sflag:$0x2] =	stream.indirect_vreg.gather [hbm4b:s9+s3], $0x80, v7, vm0, $0xb8;
	[tilespmem:$0x11480] =	vst v63  }
0x3ab: {  	s2 =	simm.s32 $0xF480  }
0x3ac: {  	[tilespmem:s2], [sflag:$0x2] =	stream.indirect_vreg.gather [hbm4b:s10+s3], $0x80, v7, vm0, $0xb8;
	[tilespmem:$0x11480] =	vst v63  }
0x3ad: {  	s19 =	simm.s32 $0xFC80  }
0x3ae: {  	[tilespmem:s19], [sflag:$0x2] =	stream.indirect_vreg.gather [hbm4b:s1+s3], $0x80, v6, vm0, $0xb8;
	[tilespmem:$0x11480] =	vst v63  }
0x3af: {  	s18 =	simm.s32 $0x10480  }
0x3b0: {  	[tilespmem:s18], [sflag:$0x2] =	stream.indirect_vreg.gather [hbm4b:s9+s3], $0x80, v6, vm0, $0xb8;
	[tilespmem:$0x11480] =	vst v63  }
0x3b1: {  	s21 =	simm.s32 $0x10C80  }
0x3b2: {  	[tilespmem:s21], [sflag:$0x2] =	stream.indirect_vreg.gather [hbm4b:s10+s3], $0x80, v6, vm0, $0xb8;
	[tilespmem:$0x11480] =	vst v63  }
0x3b3: {  	s25 =	rddreg [dreg:$0xd]  }
0x3b4: {  	[hbm4b:s25+s3] =	stream.linear.scatter [tilespmem:s16], [sflag:$0x3], $0x6000, $0x38;
	[tilespmem:$0x11480] =	vst v63  }
0x3b5: {  	_ =	swait.ge [sflag:s30], $0x6000  }
0x3b6: {  	[sflag:s30] =	ssyncset.done $0x0  }
0x3b7: {  	[sflag:s30] =	ssyncadd.s32 $0xFFFFA000  }
0x3b8: {  	_ =	swait.ge [sflag:s4], $0x6000  }
0x3b9: {  	[sflag:s4] =	ssyncset.done $0x0  }
0x3ba: {  	s26 =	rddreg [dreg:$0xe];
	[sflag:s4] =	ssyncadd.s32 $0xFFFFA000  }
0x3bb: {  	[hbm4b:s26+s3] =	stream.linear.scatter [tilespmem:s14], [sflag:$0x4], $0x6000, $0x38;
	[tilespmem:$0x11480] =	vst v63  }
0x3bc: {  	_ =	swait.ge [sflag:s5], $0x6000  }
0x3bd: {  	s29 =	rddreg [dreg:$0xf]  }
0x3be: {  	s31 =	rddreg [dreg:$0xc];
	s7 =	sadd.s32 $0x1, s29  }
0x3bf: {  	p1 =	sne.s32 s7, s31  }
.Ltmp8:
0x3c0: {  	_ = 	snop;
	(pc) =	sbr.rel @p1 .LBB2_1-.Ltmp8, $4  }
.Ltmp9:
0x3c1: {  	_ = 	snop;
	(pc) =	sbr.rel @!p1 .LBB2_16-.Ltmp9, $4  }
0x3c2: {  	_ = 	snop  }
0x3c3: {  	[sflag:s5] =	ssyncset.done $0x0  }
0x3c4: {  	[sflag:s5] =	ssyncadd.s32 $0xFFFFA000  }
0x3c5: {  	_ = 	snop  }
.LBB2_7:
.Ltmp10:
0x3c6: {  	(pc) =	sbr.rel .LBB2_11-.Ltmp10, $2  }
0x3c7: {  	_ =	sdelay $0x2  }
0x3c8: {  	s12 =	simm.s32 $0x0;
	s7 =	simm.s32 $0x0;
	s11 =	simm.s32 $0x0  }
.LBB2_9:
.Ltmp11:
0x3c9: {  	(pc) =	sbr.rel .LBB2_11-.Ltmp11, $2  }
0x3ca: {  	_ =	sdelay $0x2  }
0x3cb: {  	s7 =	simm.s32 $0x0  }
.LBB2_16:
0x3cc: {  	_ =	sfence.sel $0x180000  }
0x3cd: {  	[bflag:$0x0] =	sbarrier.arrive $0xFFFF  }
0x3ce: {  	_ =	strace $0x90000047  }
0x3cf: {  	s0 =	stileid.u32;
	[bflag:$0x2] =	sbarrier.arrive $0xFFFF  }
0x3d0: {  	p0 =	sne.s32 s0, $0x0;
	s0 =	rddreg [dreg:$0x4]  }
0x3d1: {  	s0 =	sadd.s32 @!p0 $0x100000, s0  }
0x3d2: {  	[sflag:s0] =	ssyncadd.tile.s32 @!p0 $0x1;
	_ =	shalt  }
.Lfunc_end2:
_tile_overlayer_lowered:
.L_overlay_start_2:
0x3d3: {  	(tag) =	ssettag $0x2  }
0x3d4: {  	s0 =	rddreg [dreg:$0x0];
	s2 =	stileid.u32  }
0x3d5: {  	s1 =	rddreg [dreg:$0x1];
	p0 =	sne.s32 s2, $0x0  }
0x3d6: {  	s3 =	rddreg [dreg:$0x2];
	[bflag:$0x3] =	sbarrier.arrive $0xFFFF;
	s2 =	simm.s32 @!p0 $0x1C05  }
0x3d7: {  	[timem:s3], [sflag:s2] =	dma.local @!p0 [hbm:s0], s1  }
0x3d8: {  	s0 =	simm.s32 @!p0 $0x5  }
0x3d9: {  	_ =	swait.ge @!p0 [sflag:s0], s1  }
0x3da: {  	s1 =	ssub.s32 @!p0 $0x0, s1;
	[sflag:s0] =	ssyncset.done @!p0 $0x0  }
0x3db: {  	[sflag:s0] =	ssyncadd.s32 @!p0 s1  }
0x3dc: {  	[bflag:$0x3] =	sbarrier.arrive $0xFFFF  }
0x3dd: {  	_ =	shalt  }

</sc_bundles>
